<compile_context>
chip_gen: v7x
topology: tpu7x:2x2x1
jax: 0.10.2.dev20260603
libtpu: 0.0.44.dev20260713+nightly
codegen_flags: <defaults>
</compile_context>

<pallas_src>
import functools

import jax
import jax.numpy as jnp
from jax import lax
from jax.experimental import pallas as pl
from jax.experimental.pallas import tpu as pltpu
from jax.experimental.pallas import tpu_sc as plsc

_NUM_BUCKETS = 1000
_EMBED_DIM = 128
_BATCH = 16384
_DIV = 100.0 + 1e-8

_NC = 2
_NS = 16
_L = 16
_NW = _NC * _NS
_BPW = _BATCH // _NW
_CHUNK = 64
_NCHUNK = _BPW // _CHUNK
_ROWS = _NUM_BUCKETS
_RPT = 64


def _body(x_hbm, table_hbm, out_hbm, x_v, idx_v, rows_v, table_sh, gsems):
    cid = lax.axis_index("c")
    sid = lax.axis_index("s")
    wid = sid * _NC + cid
    base = wid * _BPW

    start = pl.multiple_of(jnp.minimum(sid * _RPT, _ROWS - _RPT), 8)
    pltpu.sync_copy(
        table_hbm.at[pl.ds(start, _RPT)], table_sh.at[pl.ds(start, _RPT)]
    )

    pltpu.sync_copy(x_hbm.at[pl.ds(base, _BPW)], x_v)
    for j in range(_NCHUNK):
        for i in range(_CHUNK // _L):
            xv = x_v[pl.ds(j * _CHUNK + i * _L, _L)]
            y = (xv / jnp.float32(_DIV)) * jnp.float32(_NUM_BUCKETS)
            idx = jnp.clip(y.astype(jnp.int32), 0, _NUM_BUCKETS - 1)
            idx_v[j, pl.ds(i * _L, _L)] = idx

    plsc.subcore_barrier()

    gathers = [
        pltpu.async_copy(
            table_sh.at[idx_v.at[j]],
            rows_v.at[pl.ds(j * _CHUNK, _CHUNK)],
            gsems[j],
        )
        for j in range(_NCHUNK)
    ]
    for j in range(_NCHUNK):
        gathers[j].wait()
        pltpu.sync_copy(
            rows_v.at[pl.ds(j * _CHUNK, _CHUNK)],
            out_hbm.at[pl.ds(base + j * _CHUNK, _CHUNK)],
        )


_sc_lookup = functools.partial(
    pl.kernel,
    out_type=jax.ShapeDtypeStruct((_BATCH, _EMBED_DIM), jnp.float32),
    mesh=plsc.VectorSubcoreMesh(core_axis_name="c", subcore_axis_name="s"),
    scratch_types=[
        pltpu.VMEM((_BPW,), jnp.float32),
        pltpu.VMEM((_NCHUNK, _CHUNK), jnp.int32),
        pltpu.VMEM((_BPW, _EMBED_DIM), jnp.float32),
        pltpu.VMEM_SHARED((_ROWS, _EMBED_DIM), jnp.float32),
        [pltpu.SemaphoreType.DMA] * _NCHUNK,
    ],
)(_body)


def kernel(x, table):
    return _sc_lookup(x, table)

# --- scband reference (transcript-rebuilt; emitter-appended) ---
"""Pipeline reference for scband-numerical-bucketing-36627481101145 (READ-ONLY COPY).

The authoritative reference and input builder live on the scoring server;
editing this copy changes nothing except your own understanding.
"""

import jax, jax.numpy as jnp
import numpy as np

NUM_BUCKETS = 1000
EMBED_DIM = 128
BATCH = 16384
MIN_VAL = 0.0
MAX_VAL = 100.0

def setup_inputs(seed: int = 0) -> dict:
    key = jax.random.key(seed)
    k1, k2 = jax.random.split(key)
    # x ~ uniform in [0, 100) so buckets are well spread across [0, num_buckets)
    x = jax.random.uniform(k1, (BATCH,), dtype=jnp.float32) * 100.0
    # learned parameter: embedding table with (num_buckets + 2) rows, xavier-normal-ish init
    std = float(np.sqrt(2.0 / ((NUM_BUCKETS + 2) + EMBED_DIM)))
    table = jax.random.normal(k2, (NUM_BUCKETS + 2, EMBED_DIM), dtype=jnp.float32) * std
    return {"x": x, "table": table}

def reference(x, table):
    # use_log=False path of NumericalBucketing.forward with default min_val=0.0, max_val=100.0
    bucket_idx = ((x - MIN_VAL) / (MAX_VAL - MIN_VAL + 1e-08) * NUM_BUCKETS).astype(jnp.int32)
    bucket_idx = jnp.clip(bucket_idx, 0, NUM_BUCKETS - 1)
    return jnp.take(table, bucket_idx, axis=0)

if __name__ == "__main__":
    import jax
    _d = setup_inputs()
    print(jax.jit(kernel)(*tuple(_d.values())))

</pallas_src>

<mosaic_0001>
#map = affine_map<(d0, d1) -> (0)>
#map1 = affine_map<(d0, d1) -> (0, 0)>
module attributes {stable_mosaic.version = 14 : i64} {
  func.func @_body(%arg0: i32, %arg1: i32, %arg2: memref<16384xf32, #tpu.memory_space<hbm>>, %arg3: memref<1002x128xf32, #tpu.memory_space<hbm>>, %arg4: memref<16384x128xf32, #tpu.memory_space<hbm>>, %arg5: memref<512xf32, #tpu.memory_space<vmem>>, %arg6: memref<8x64xi32, #tpu.memory_space<vmem>>, %arg7: memref<512x128xf32, #tpu.memory_space<vmem>>, %arg8: memref<1000x128xf32, #tpu.memory_space<vmem_shared>>, %arg9: memref<!tpu.dma_semaphore, #tpu.memory_space<semaphore_mem>>, %arg10: memref<!tpu.dma_semaphore, #tpu.memory_space<semaphore_mem>>, %arg11: memref<!tpu.dma_semaphore, #tpu.memory_space<semaphore_mem>>, %arg12: memref<!tpu.dma_semaphore, #tpu.memory_space<semaphore_mem>>, %arg13: memref<!tpu.dma_semaphore, #tpu.memory_space<semaphore_mem>>, %arg14: memref<!tpu.dma_semaphore, #tpu.memory_space<semaphore_mem>>, %arg15: memref<!tpu.dma_semaphore, #tpu.memory_space<semaphore_mem>>, %arg16: memref<!tpu.dma_semaphore, #tpu.memory_space<semaphore_mem>>) attributes {dimension_semantics = [#tpu.dimension_semantics<core_parallel>, #tpu.dimension_semantics<subcore_parallel>], iteration_bounds = array<i64: 2, 16>, scalar_prefetch = 0 : i64, scratch_operands = 12 : i64, tpu.core_type = #tpu.core_type<sc_vector_subcore>, window_params = [{transform_indices = #map}, {transform_indices = #map1}, {transform_indices = #map1}]} {
    %mul3A = arith.constant 2 : i32
    %mul3A_0 = arith.muli %arg1, %mul3A : i32
    %add3A = arith.addi %mul3A_0, %arg0 : i32
    %mul3A_1 = arith.constant 512 : i32
    %mul3A_2 = arith.muli %add3A, %mul3A_1 : i32
    %mul3A_3 = arith.constant 64 : i32
    %mul3A_4 = arith.muli %arg1, %mul3A_3 : i32
    %min3A = arith.constant 936 : i32
    %min3A_5 = arith.minsi %mul3A_4, %min3A : i32
    %multiple_of3A = tpu.assume_multiple %min3A_5, 8 : i32
    "tpu.region"() ({
      %run_scoped3A = tpu.sem_alloc : memref<!tpu.dma_semaphore, #tpu.memory_space<semaphore_mem>>
      %dma_start3A_878 = arith.constant 0 : i32
      %dma_start3A_879 = tpu.memref_slice %arg8[%multiple_of3A, %dma_start3A_878] : memref<1000x128xf32, #tpu.memory_space<vmem_shared>> -> memref<64x128xf32, #tpu.memory_space<vmem_shared>>
      %dma_start3A_880 = arith.constant 0 : i32
      %dma_start3A_881 = tpu.memref_slice %arg3[%multiple_of3A, %dma_start3A_880] : memref<1002x128xf32, #tpu.memory_space<hbm>> -> memref<64x128xf32, #tpu.memory_space<hbm>>
      tpu.enqueue_dma source(%dma_start3A_881 : memref<64x128xf32, #tpu.memory_space<hbm>>) target(%dma_start3A_879 : memref<64x128xf32, #tpu.memory_space<vmem_shared>>) target_semaphore(%run_scoped3A : memref<!tpu.dma_semaphore, #tpu.memory_space<semaphore_mem>>)
      %dma_wait3A_882 = arith.constant 0 : i32
      %dma_wait3A_883 = tpu.memref_slice %arg8[%multiple_of3A, %dma_wait3A_882] : memref<1000x128xf32, #tpu.memory_space<vmem_shared>> -> memref<64x128xf32, #tpu.memory_space<vmem_shared>>
      %dma_wait3A_884 = arith.constant 0 : i32
      %dma_wait3A_885 = tpu.memref_slice %arg3[%multiple_of3A, %dma_wait3A_884] : memref<1002x128xf32, #tpu.memory_space<hbm>> -> memref<64x128xf32, #tpu.memory_space<hbm>>
      tpu.wait_dma2 semaphore(%run_scoped3A : memref<!tpu.dma_semaphore, #tpu.memory_space<semaphore_mem>>) src(%dma_wait3A_885 : memref<64x128xf32, #tpu.memory_space<hbm>>) dst(%dma_wait3A_883 : memref<64x128xf32, #tpu.memory_space<vmem_shared>>)
      tpu.yield
    }) : () -> ()
    "tpu.region"() ({
      %run_scoped3A = tpu.sem_alloc : memref<!tpu.dma_semaphore, #tpu.memory_space<semaphore_mem>>
      %dma_start3A_878 = tpu.memref_slice %arg2[%mul3A_2] : memref<16384xf32, #tpu.memory_space<hbm>> -> memref<512xf32, #tpu.memory_space<hbm>>
      %dma_start3A_879 = tpu.memref_slice %arg2[%mul3A_2] : memref<16384xf32, #tpu.memory_space<hbm>> -> memref<512xf32, #tpu.memory_space<hbm>>
      tpu.enqueue_dma source(%dma_start3A_879 : memref<512xf32, #tpu.memory_space<hbm>>) target(%arg5 : memref<512xf32, #tpu.memory_space<vmem>>) target_semaphore(%run_scoped3A : memref<!tpu.dma_semaphore, #tpu.memory_space<semaphore_mem>>)
      %dma_wait3A_880 = tpu.memref_slice %arg2[%mul3A_2] : memref<16384xf32, #tpu.memory_space<hbm>> -> memref<512xf32, #tpu.memory_space<hbm>>
      %dma_wait3A_881 = tpu.memref_slice %arg2[%mul3A_2] : memref<16384xf32, #tpu.memory_space<hbm>> -> memref<512xf32, #tpu.memory_space<hbm>>
      tpu.wait_dma2 semaphore(%run_scoped3A : memref<!tpu.dma_semaphore, #tpu.memory_space<semaphore_mem>>) src(%dma_wait3A_881 : memref<512xf32, #tpu.memory_space<hbm>>) dst(%arg5 : memref<512xf32, #tpu.memory_space<vmem>>)
      tpu.yield
    }) : () -> ()
    %get3A = arith.constant 0 : index
    %get3A_6 = tpu.vector_load %arg5[%get3A] {strides = array<i32>} : memref<512xf32, #tpu.memory_space<vmem>>, vector<16xf32>,
    %get3A_7 = vector.shape_cast %get3A_6 : vector<16xf32> to vector<16xf32>
    %div3A = arith.constant 1.000000e+02 : f32
    %div3A_8 = vector.broadcast %div3A : f32 to vector<16xf32>
    %div3A_9 = arith.divf %get3A_7, %div3A_8 : vector<16xf32>
    %mul3A_10 = arith.constant 1.000000e+03 : f32
    %mul3A_11 = vector.broadcast %mul3A_10 : f32 to vector<16xf32>
    %mul3A_12 = arith.mulf %div3A_9, %mul3A_11 : vector<16xf32>
    %convert_element_type3A = arith.fptosi %mul3A_12 : vector<16xf32> to vector<16xi32>
    %jit3A = arith.constant 0 : i32
    %jit3A_13 = arith.constant 999 : i32
    %max3A = vector.broadcast %jit3A : i32 to vector<16xi32>
    %max3A_14 = arith.maxsi %max3A, %convert_element_type3A : vector<16xi32>
    %min3A_15 = vector.broadcast %jit3A_13 : i32 to vector<16xi32>
    %min3A_16 = arith.minsi %min3A_15, %max3A_14 : vector<16xi32>
    %swap3A = arith.constant 0 : i32
    %swap3A_17 = arith.index_cast %swap3A : i32 to index
    %swap3A_18 = arith.constant 0 : index
    %swap3A_19 = tpu.vector_load %arg6[%swap3A_17, %swap3A_18] {strides = array<i32>} : memref<8x64xi32, #tpu.memory_space<vmem>>, vector<1x16xi32>,
    %swap3A_20 = vector.shape_cast %swap3A_19 : vector<1x16xi32> to vector<16xi32>
    %swap3A_21 = vector.shape_cast %min3A_16 : vector<16xi32> to vector<1x16xi32>
    tpu.vector_store %arg6[%swap3A_17, %swap3A_18], %swap3A_21 {strides = array<i32>} : memref<8x64xi32, #tpu.memory_space<vmem>>, vector<1x16xi32>,
    %get3A_22 = arith.constant 16 : index
    %get3A_23 = tpu.vector_load %arg5[%get3A_22] {strides = array<i32>} : memref<512xf32, #tpu.memory_space<vmem>>, vector<16xf32>,
    %get3A_24 = vector.shape_cast %get3A_23 : vector<16xf32> to vector<16xf32>
    %div3A_25 = arith.constant 1.000000e+02 : f32
    %div3A_26 = vector.broadcast %div3A_25 : f32 to vector<16xf32>
    %div3A_27 = arith.divf %get3A_24, %div3A_26 : vector<16xf32>
    %mul3A_28 = arith.constant 1.000000e+03 : f32
    %mul3A_29 = vector.broadcast %mul3A_28 : f32 to vector<16xf32>
    %mul3A_30 = arith.mulf %div3A_27, %mul3A_29 : vector<16xf32>
    %convert_element_type3A_31 = arith.fptosi %mul3A_30 : vector<16xf32> to vector<16xi32>
    %jit3A_32 = arith.constant 0 : i32
    %jit3A_33 = arith.constant 999 : i32
    %max3A_34 = vector.broadcast %jit3A_32 : i32 to vector<16xi32>
    %max3A_35 = arith.maxsi %max3A_34, %convert_element_type3A_31 : vector<16xi32>
    %min3A_36 = vector.broadcast %jit3A_33 : i32 to vector<16xi32>
    %min3A_37 = arith.minsi %min3A_36, %max3A_35 : vector<16xi32>
    %swap3A_38 = arith.constant 0 : i32
    %swap3A_39 = arith.index_cast %swap3A_38 : i32 to index
    %swap3A_40 = arith.constant 16 : index
    %swap3A_41 = tpu.vector_load %arg6[%swap3A_39, %swap3A_40] {strides = array<i32>} : memref<8x64xi32, #tpu.memory_space<vmem>>, vector<1x16xi32>,
    %swap3A_42 = vector.shape_cast %swap3A_41 : vector<1x16xi32> to vector<16xi32>
    %swap3A_43 = vector.shape_cast %min3A_37 : vector<16xi32> to vector<1x16xi32>
    tpu.vector_store %arg6[%swap3A_39, %swap3A_40], %swap3A_43 {strides = array<i32>} : memref<8x64xi32, #tpu.memory_space<vmem>>, vector<1x16xi32>,
    %get3A_44 = arith.constant 32 : index
    %get3A_45 = tpu.vector_load %arg5[%get3A_44] {strides = array<i32>} : memref<512xf32, #tpu.memory_space<vmem>>, vector<16xf32>,
    %get3A_46 = vector.shape_cast %get3A_45 : vector<16xf32> to vector<16xf32>
    %div3A_47 = arith.constant 1.000000e+02 : f32
    %div3A_48 = vector.broadcast %div3A_47 : f32 to vector<16xf32>
    %div3A_49 = arith.divf %get3A_46, %div3A_48 : vector<16xf32>
    %mul3A_50 = arith.constant 1.000000e+03 : f32
    %mul3A_51 = vector.broadcast %mul3A_50 : f32 to vector<16xf32>
    %mul3A_52 = arith.mulf %div3A_49, %mul3A_51 : vector<16xf32>
    %convert_element_type3A_53 = arith.fptosi %mul3A_52 : vector<16xf32> to vector<16xi32>
    %jit3A_54 = arith.constant 0 : i32
    %jit3A_55 = arith.constant 999 : i32
    %max3A_56 = vector.broadcast %jit3A_54 : i32 to vector<16xi32>
    %max3A_57 = arith.maxsi %max3A_56, %convert_element_type3A_53 : vector<16xi32>
    %min3A_58 = vector.broadcast %jit3A_55 : i32 to vector<16xi32>
    %min3A_59 = arith.minsi %min3A_58, %max3A_57 : vector<16xi32>
    %swap3A_60 = arith.constant 0 : i32
    %swap3A_61 = arith.index_cast %swap3A_60 : i32 to index
    %swap3A_62 = arith.constant 32 : index
    %swap3A_63 = tpu.vector_load %arg6[%swap3A_61, %swap3A_62] {strides = array<i32>} : memref<8x64xi32, #tpu.memory_space<vmem>>, vector<1x16xi32>,
    %swap3A_64 = vector.shape_cast %swap3A_63 : vector<1x16xi32> to vector<16xi32>
    %swap3A_65 = vector.shape_cast %min3A_59 : vector<16xi32> to vector<1x16xi32>
    tpu.vector_store %arg6[%swap3A_61, %swap3A_62], %swap3A_65 {strides = array<i32>} : memref<8x64xi32, #tpu.memory_space<vmem>>, vector<1x16xi32>,
    %get3A_66 = arith.constant 48 : index
    %get3A_67 = tpu.vector_load %arg5[%get3A_66] {strides = array<i32>} : memref<512xf32, #tpu.memory_space<vmem>>, vector<16xf32>,
    %get3A_68 = vector.shape_cast %get3A_67 : vector<16xf32> to vector<16xf32>
    %div3A_69 = arith.constant 1.000000e+02 : f32
    %div3A_70 = vector.broadcast %div3A_69 : f32 to vector<16xf32>
    %div3A_71 = arith.divf %get3A_68, %div3A_70 : vector<16xf32>
    %mul3A_72 = arith.constant 1.000000e+03 : f32
    %mul3A_73 = vector.broadcast %mul3A_72 : f32 to vector<16xf32>
    %mul3A_74 = arith.mulf %div3A_71, %mul3A_73 : vector<16xf32>
    %convert_element_type3A_75 = arith.fptosi %mul3A_74 : vector<16xf32> to vector<16xi32>
    %jit3A_76 = arith.constant 0 : i32
    %jit3A_77 = arith.constant 999 : i32
    %max3A_78 = vector.broadcast %jit3A_76 : i32 to vector<16xi32>
    %max3A_79 = arith.maxsi %max3A_78, %convert_element_type3A_75 : vector<16xi32>
    %min3A_80 = vector.broadcast %jit3A_77 : i32 to vector<16xi32>
    %min3A_81 = arith.minsi %min3A_80, %max3A_79 : vector<16xi32>
    %swap3A_82 = arith.constant 0 : i32
    %swap3A_83 = arith.index_cast %swap3A_82 : i32 to index
    %swap3A_84 = arith.constant 48 : index
    %swap3A_85 = tpu.vector_load %arg6[%swap3A_83, %swap3A_84] {strides = array<i32>} : memref<8x64xi32, #tpu.memory_space<vmem>>, vector<1x16xi32>,
    %swap3A_86 = vector.shape_cast %swap3A_85 : vector<1x16xi32> to vector<16xi32>
    %swap3A_87 = vector.shape_cast %min3A_81 : vector<16xi32> to vector<1x16xi32>
    tpu.vector_store %arg6[%swap3A_83, %swap3A_84], %swap3A_87 {strides = array<i32>} : memref<8x64xi32, #tpu.memory_space<vmem>>, vector<1x16xi32>,
    %get3A_88 = arith.constant 64 : index
    %get3A_89 = tpu.vector_load %arg5[%get3A_88] {strides = array<i32>} : memref<512xf32, #tpu.memory_space<vmem>>, vector<16xf32>,
    %get3A_90 = vector.shape_cast %get3A_89 : vector<16xf32> to vector<16xf32>
    %div3A_91 = arith.constant 1.000000e+02 : f32
    %div3A_92 = vector.broadcast %div3A_91 : f32 to vector<16xf32>
    %div3A_93 = arith.divf %get3A_90, %div3A_92 : vector<16xf32>
    %mul3A_94 = arith.constant 1.000000e+03 : f32
    %mul3A_95 = vector.broadcast %mul3A_94 : f32 to vector<16xf32>
    %mul3A_96 = arith.mulf %div3A_93, %mul3A_95 : vector<16xf32>
    %convert_element_type3A_97 = arith.fptosi %mul3A_96 : vector<16xf32> to vector<16xi32>
    %jit3A_98 = arith.constant 0 : i32
    %jit3A_99 = arith.constant 999 : i32
    %max3A_100 = vector.broadcast %jit3A_98 : i32 to vector<16xi32>
    %max3A_101 = arith.maxsi %max3A_100, %convert_element_type3A_97 : vector<16xi32>
    %min3A_102 = vector.broadcast %jit3A_99 : i32 to vector<16xi32>
    %min3A_103 = arith.minsi %min3A_102, %max3A_101 : vector<16xi32>
    %swap3A_104 = arith.constant 1 : i32
    %swap3A_105 = arith.index_cast %swap3A_104 : i32 to index
    %swap3A_106 = arith.constant 0 : index
    %swap3A_107 = tpu.vector_load %arg6[%swap3A_105, %swap3A_106] {strides = array<i32>} : memref<8x64xi32, #tpu.memory_space<vmem>>, vector<1x16xi32>,
    %swap3A_108 = vector.shape_cast %swap3A_107 : vector<1x16xi32> to vector<16xi32>
    %swap3A_109 = vector.shape_cast %min3A_103 : vector<16xi32> to vector<1x16xi32>
    tpu.vector_store %arg6[%swap3A_105, %swap3A_106], %swap3A_109 {strides = array<i32>} : memref<8x64xi32, #tpu.memory_space<vmem>>, vector<1x16xi32>,
    %get3A_110 = arith.constant 80 : index
    %get3A_111 = tpu.vector_load %arg5[%get3A_110] {strides = array<i32>} : memref<512xf32, #tpu.memory_space<vmem>>, vector<16xf32>,
    %get3A_112 = vector.shape_cast %get3A_111 : vector<16xf32> to vector<16xf32>
    %div3A_113 = arith.constant 1.000000e+02 : f32
    %div3A_114 = vector.broadcast %div3A_113 : f32 to vector<16xf32>
    %div3A_115 = arith.divf %get3A_112, %div3A_114 : vector<16xf32>
    %mul3A_116 = arith.constant 1.000000e+03 : f32
    %mul3A_117 = vector.broadcast %mul3A_116 : f32 to vector<16xf32>
    %mul3A_118 = arith.mulf %div3A_115, %mul3A_117 : vector<16xf32>
    %convert_element_type3A_119 = arith.fptosi %mul3A_118 : vector<16xf32> to vector<16xi32>
    %jit3A_120 = arith.constant 0 : i32
    %jit3A_121 = arith.constant 999 : i32
    %max3A_122 = vector.broadcast %jit3A_120 : i32 to vector<16xi32>
    %max3A_123 = arith.maxsi %max3A_122, %convert_element_type3A_119 : vector<16xi32>
    %min3A_124 = vector.broadcast %jit3A_121 : i32 to vector<16xi32>
    %min3A_125 = arith.minsi %min3A_124, %max3A_123 : vector<16xi32>
    %swap3A_126 = arith.constant 1 : i32
    %swap3A_127 = arith.index_cast %swap3A_126 : i32 to index
    %swap3A_128 = arith.constant 16 : index
    %swap3A_129 = tpu.vector_load %arg6[%swap3A_127, %swap3A_128] {strides = array<i32>} : memref<8x64xi32, #tpu.memory_space<vmem>>, vector<1x16xi32>,
    %swap3A_130 = vector.shape_cast %swap3A_129 : vector<1x16xi32> to vector<16xi32>
    %swap3A_131 = vector.shape_cast %min3A_125 : vector<16xi32> to vector<1x16xi32>
    tpu.vector_store %arg6[%swap3A_127, %swap3A_128], %swap3A_131 {strides = array<i32>} : memref<8x64xi32, #tpu.memory_space<vmem>>, vector<1x16xi32>,
    %get3A_132 = arith.constant 96 : index
    %get3A_133 = tpu.vector_load %arg5[%get3A_132] {strides = array<i32>} : memref<512xf32, #tpu.memory_space<vmem>>, vector<16xf32>,
    %get3A_134 = vector.shape_cast %get3A_133 : vector<16xf32> to vector<16xf32>
    %div3A_135 = arith.constant 1.000000e+02 : f32
    %div3A_136 = vector.broadcast %div3A_135 : f32 to vector<16xf32>
    %div3A_137 = arith.divf %get3A_134, %div3A_136 : vector<16xf32>
    %mul3A_138 = arith.constant 1.000000e+03 : f32
    %mul3A_139 = vector.broadcast %mul3A_138 : f32 to vector<16xf32>
    %mul3A_140 = arith.mulf %div3A_137, %mul3A_139 : vector<16xf32>
    %convert_element_type3A_141 = arith.fptosi %mul3A_140 : vector<16xf32> to vector<16xi32>
    %jit3A_142 = arith.constant 0 : i32
    %jit3A_143 = arith.constant 999 : i32
    %max3A_144 = vector.broadcast %jit3A_142 : i32 to vector<16xi32>
    %max3A_145 = arith.maxsi %max3A_144, %convert_element_type3A_141 : vector<16xi32>
    %min3A_146 = vector.broadcast %jit3A_143 : i32 to vector<16xi32>
    %min3A_147 = arith.minsi %min3A_146, %max3A_145 : vector<16xi32>
    %swap3A_148 = arith.constant 1 : i32
    %swap3A_149 = arith.index_cast %swap3A_148 : i32 to index
    %swap3A_150 = arith.constant 32 : index
    %swap3A_151 = tpu.vector_load %arg6[%swap3A_149, %swap3A_150] {strides = array<i32>} : memref<8x64xi32, #tpu.memory_space<vmem>>, vector<1x16xi32>,
    %swap3A_152 = vector.shape_cast %swap3A_151 : vector<1x16xi32> to vector<16xi32>
    %swap3A_153 = vector.shape_cast %min3A_147 : vector<16xi32> to vector<1x16xi32>
    tpu.vector_store %arg6[%swap3A_149, %swap3A_150], %swap3A_153 {strides = array<i32>} : memref<8x64xi32, #tpu.memory_space<vmem>>, vector<1x16xi32>,
    %get3A_154 = arith.constant 112 : index
    %get3A_155 = tpu.vector_load %arg5[%get3A_154] {strides = array<i32>} : memref<512xf32, #tpu.memory_space<vmem>>, vector<16xf32>,
    %get3A_156 = vector.shape_cast %get3A_155 : vector<16xf32> to vector<16xf32>
    %div3A_157 = arith.constant 1.000000e+02 : f32
    %div3A_158 = vector.broadcast %div3A_157 : f32 to vector<16xf32>
    %div3A_159 = arith.divf %get3A_156, %div3A_158 : vector<16xf32>
    %mul3A_160 = arith.constant 1.000000e+03 : f32
    %mul3A_161 = vector.broadcast %mul3A_160 : f32 to vector<16xf32>
    %mul3A_162 = arith.mulf %div3A_159, %mul3A_161 : vector<16xf32>
    %convert_element_type3A_163 = arith.fptosi %mul3A_162 : vector<16xf32> to vector<16xi32>
    %jit3A_164 = arith.constant 0 : i32
    %jit3A_165 = arith.constant 999 : i32
    %max3A_166 = vector.broadcast %jit3A_164 : i32 to vector<16xi32>
    %max3A_167 = arith.maxsi %max3A_166, %convert_element_type3A_163 : vector<16xi32>
    %min3A_168 = vector.broadcast %jit3A_165 : i32 to vector<16xi32>
    %min3A_169 = arith.minsi %min3A_168, %max3A_167 : vector<16xi32>
    %swap3A_170 = arith.constant 1 : i32
    %swap3A_171 = arith.index_cast %swap3A_170 : i32 to index
    %swap3A_172 = arith.constant 48 : index
    %swap3A_173 = tpu.vector_load %arg6[%swap3A_171, %swap3A_172] {strides = array<i32>} : memref<8x64xi32, #tpu.memory_space<vmem>>, vector<1x16xi32>,
    %swap3A_174 = vector.shape_cast %swap3A_173 : vector<1x16xi32> to vector<16xi32>
    %swap3A_175 = vector.shape_cast %min3A_169 : vector<16xi32> to vector<1x16xi32>
    tpu.vector_store %arg6[%swap3A_171, %swap3A_172], %swap3A_175 {strides = array<i32>} : memref<8x64xi32, #tpu.memory_space<vmem>>, vector<1x16xi32>,
    %get3A_176 = arith.constant 128 : index
    %get3A_177 = tpu.vector_load %arg5[%get3A_176] {strides = array<i32>} : memref<512xf32, #tpu.memory_space<vmem>>, vector<16xf32>,
    %get3A_178 = vector.shape_cast %get3A_177 : vector<16xf32> to vector<16xf32>
    %div3A_179 = arith.constant 1.000000e+02 : f32
    %div3A_180 = vector.broadcast %div3A_179 : f32 to vector<16xf32>
    %div3A_181 = arith.divf %get3A_178, %div3A_180 : vector<16xf32>
    %mul3A_182 = arith.constant 1.000000e+03 : f32
    %mul3A_183 = vector.broadcast %mul3A_182 : f32 to vector<16xf32>
    %mul3A_184 = arith.mulf %div3A_181, %mul3A_183 : vector<16xf32>
    %convert_element_type3A_185 = arith.fptosi %mul3A_184 : vector<16xf32> to vector<16xi32>
    %jit3A_186 = arith.constant 0 : i32
    %jit3A_187 = arith.constant 999 : i32
    %max3A_188 = vector.broadcast %jit3A_186 : i32 to vector<16xi32>
    %max3A_189 = arith.maxsi %max3A_188, %convert_element_type3A_185 : vector<16xi32>
    %min3A_190 = vector.broadcast %jit3A_187 : i32 to vector<16xi32>
    %min3A_191 = arith.minsi %min3A_190, %max3A_189 : vector<16xi32>
    %swap3A_192 = arith.constant 2 : i32
    %swap3A_193 = arith.index_cast %swap3A_192 : i32 to index
    %swap3A_194 = arith.constant 0 : index
    %swap3A_195 = tpu.vector_load %arg6[%swap3A_193, %swap3A_194] {strides = array<i32>} : memref<8x64xi32, #tpu.memory_space<vmem>>, vector<1x16xi32>,
    %swap3A_196 = vector.shape_cast %swap3A_195 : vector<1x16xi32> to vector<16xi32>
    %swap3A_197 = vector.shape_cast %min3A_191 : vector<16xi32> to vector<1x16xi32>
    tpu.vector_store %arg6[%swap3A_193, %swap3A_194], %swap3A_197 {strides = array<i32>} : memref<8x64xi32, #tpu.memory_space<vmem>>, vector<1x16xi32>,
    %get3A_198 = arith.constant 144 : index
    %get3A_199 = tpu.vector_load %arg5[%get3A_198] {strides = array<i32>} : memref<512xf32, #tpu.memory_space<vmem>>, vector<16xf32>,
    %get3A_200 = vector.shape_cast %get3A_199 : vector<16xf32> to vector<16xf32>
    %div3A_201 = arith.constant 1.000000e+02 : f32
    %div3A_202 = vector.broadcast %div3A_201 : f32 to vector<16xf32>
    %div3A_203 = arith.divf %get3A_200, %div3A_202 : vector<16xf32>
    %mul3A_204 = arith.constant 1.000000e+03 : f32
    %mul3A_205 = vector.broadcast %mul3A_204 : f32 to vector<16xf32>
    %mul3A_206 = arith.mulf %div3A_203, %mul3A_205 : vector<16xf32>
    %convert_element_type3A_207 = arith.fptosi %mul3A_206 : vector<16xf32> to vector<16xi32>
    %jit3A_208 = arith.constant 0 : i32
    %jit3A_209 = arith.constant 999 : i32
    %max3A_210 = vector.broadcast %jit3A_208 : i32 to vector<16xi32>
    %max3A_211 = arith.maxsi %max3A_210, %convert_element_type3A_207 : vector<16xi32>
    %min3A_212 = vector.broadcast %jit3A_209 : i32 to vector<16xi32>
    %min3A_213 = arith.minsi %min3A_212, %max3A_211 : vector<16xi32>
    %swap3A_214 = arith.constant 2 : i32
    %swap3A_215 = arith.index_cast %swap3A_214 : i32 to index
    %swap3A_216 = arith.constant 16 : index
    %swap3A_217 = tpu.vector_load %arg6[%swap3A_215, %swap3A_216] {strides = array<i32>} : memref<8x64xi32, #tpu.memory_space<vmem>>, vector<1x16xi32>,
    %swap3A_218 = vector.shape_cast %swap3A_217 : vector<1x16xi32> to vector<16xi32>
    %swap3A_219 = vector.shape_cast %min3A_213 : vector<16xi32> to vector<1x16xi32>
    tpu.vector_store %arg6[%swap3A_215, %swap3A_216], %swap3A_219 {strides = array<i32>} : memref<8x64xi32, #tpu.memory_space<vmem>>, vector<1x16xi32>,
    %get3A_220 = arith.constant 160 : index
    %get3A_221 = tpu.vector_load %arg5[%get3A_220] {strides = array<i32>} : memref<512xf32, #tpu.memory_space<vmem>>, vector<16xf32>,
    %get3A_222 = vector.shape_cast %get3A_221 : vector<16xf32> to vector<16xf32>
    %div3A_223 = arith.constant 1.000000e+02 : f32
    %div3A_224 = vector.broadcast %div3A_223 : f32 to vector<16xf32>
    %div3A_225 = arith.divf %get3A_222, %div3A_224 : vector<16xf32>
    %mul3A_226 = arith.constant 1.000000e+03 : f32
    %mul3A_227 = vector.broadcast %mul3A_226 : f32 to vector<16xf32>
    %mul3A_228 = arith.mulf %div3A_225, %mul3A_227 : vector<16xf32>
    %convert_element_type3A_229 = arith.fptosi %mul3A_228 : vector<16xf32> to vector<16xi32>
    %jit3A_230 = arith.constant 0 : i32
    %jit3A_231 = arith.constant 999 : i32
    %max3A_232 = vector.broadcast %jit3A_230 : i32 to vector<16xi32>
    %max3A_233 = arith.maxsi %max3A_232, %convert_element_type3A_229 : vector<16xi32>
    %min3A_234 = vector.broadcast %jit3A_231 : i32 to vector<16xi32>
    %min3A_235 = arith.minsi %min3A_234, %max3A_233 : vector<16xi32>
    %swap3A_236 = arith.constant 2 : i32
    %swap3A_237 = arith.index_cast %swap3A_236 : i32 to index
    %swap3A_238 = arith.constant 32 : index
    %swap3A_239 = tpu.vector_load %arg6[%swap3A_237, %swap3A_238] {strides = array<i32>} : memref<8x64xi32, #tpu.memory_space<vmem>>, vector<1x16xi32>,
    %swap3A_240 = vector.shape_cast %swap3A_239 : vector<1x16xi32> to vector<16xi32>
    %swap3A_241 = vector.shape_cast %min3A_235 : vector<16xi32> to vector<1x16xi32>
    tpu.vector_store %arg6[%swap3A_237, %swap3A_238], %swap3A_241 {strides = array<i32>} : memref<8x64xi32, #tpu.memory_space<vmem>>, vector<1x16xi32>,
    %get3A_242 = arith.constant 176 : index
    %get3A_243 = tpu.vector_load %arg5[%get3A_242] {strides = array<i32>} : memref<512xf32, #tpu.memory_space<vmem>>, vector<16xf32>,
    %get3A_244 = vector.shape_cast %get3A_243 : vector<16xf32> to vector<16xf32>
    %div3A_245 = arith.constant 1.000000e+02 : f32
    %div3A_246 = vector.broadcast %div3A_245 : f32 to vector<16xf32>
    %div3A_247 = arith.divf %get3A_244, %div3A_246 : vector<16xf32>
    %mul3A_248 = arith.constant 1.000000e+03 : f32
    %mul3A_249 = vector.broadcast %mul3A_248 : f32 to vector<16xf32>
    %mul3A_250 = arith.mulf %div3A_247, %mul3A_249 : vector<16xf32>
    %convert_element_type3A_251 = arith.fptosi %mul3A_250 : vector<16xf32> to vector<16xi32>
    %jit3A_252 = arith.constant 0 : i32
    %jit3A_253 = arith.constant 999 : i32
    %max3A_254 = vector.broadcast %jit3A_252 : i32 to vector<16xi32>
    %max3A_255 = arith.maxsi %max3A_254, %convert_element_type3A_251 : vector<16xi32>
    %min3A_256 = vector.broadcast %jit3A_253 : i32 to vector<16xi32>
    %min3A_257 = arith.minsi %min3A_256, %max3A_255 : vector<16xi32>
    %swap3A_258 = arith.constant 2 : i32
    %swap3A_259 = arith.index_cast %swap3A_258 : i32 to index
    %swap3A_260 = arith.constant 48 : index
    %swap3A_261 = tpu.vector_load %arg6[%swap3A_259, %swap3A_260] {strides = array<i32>} : memref<8x64xi32, #tpu.memory_space<vmem>>, vector<1x16xi32>,
    %swap3A_262 = vector.shape_cast %swap3A_261 : vector<1x16xi32> to vector<16xi32>
    %swap3A_263 = vector.shape_cast %min3A_257 : vector<16xi32> to vector<1x16xi32>
    tpu.vector_store %arg6[%swap3A_259, %swap3A_260], %swap3A_263 {strides = array<i32>} : memref<8x64xi32, #tpu.memory_space<vmem>>, vector<1x16xi32>,
    %get3A_264 = arith.constant 192 : index
    %get3A_265 = tpu.vector_load %arg5[%get3A_264] {strides = array<i32>} : memref<512xf32, #tpu.memory_space<vmem>>, vector<16xf32>,
    %get3A_266 = vector.shape_cast %get3A_265 : vector<16xf32> to vector<16xf32>
    %div3A_267 = arith.constant 1.000000e+02 : f32
    %div3A_268 = vector.broadcast %div3A_267 : f32 to vector<16xf32>
    %div3A_269 = arith.divf %get3A_266, %div3A_268 : vector<16xf32>
    %mul3A_270 = arith.constant 1.000000e+03 : f32
    %mul3A_271 = vector.broadcast %mul3A_270 : f32 to vector<16xf32>
    %mul3A_272 = arith.mulf %div3A_269, %mul3A_271 : vector<16xf32>
    %convert_element_type3A_273 = arith.fptosi %mul3A_272 : vector<16xf32> to vector<16xi32>
    %jit3A_274 = arith.constant 0 : i32
    %jit3A_275 = arith.constant 999 : i32
    %max3A_276 = vector.broadcast %jit3A_274 : i32 to vector<16xi32>
    %max3A_277 = arith.maxsi %max3A_276, %convert_element_type3A_273 : vector<16xi32>
    %min3A_278 = vector.broadcast %jit3A_275 : i32 to vector<16xi32>
    %min3A_279 = arith.minsi %min3A_278, %max3A_277 : vector<16xi32>
    %swap3A_280 = arith.constant 3 : i32
    %swap3A_281 = arith.index_cast %swap3A_280 : i32 to index
    %swap3A_282 = arith.constant 0 : index
    %swap3A_283 = tpu.vector_load %arg6[%swap3A_281, %swap3A_282] {strides = array<i32>} : memref<8x64xi32, #tpu.memory_space<vmem>>, vector<1x16xi32>,
    %swap3A_284 = vector.shape_cast %swap3A_283 : vector<1x16xi32> to vector<16xi32>
    %swap3A_285 = vector.shape_cast %min3A_279 : vector<16xi32> to vector<1x16xi32>
    tpu.vector_store %arg6[%swap3A_281, %swap3A_282], %swap3A_285 {strides = array<i32>} : memref<8x64xi32, #tpu.memory_space<vmem>>, vector<1x16xi32>,
    %get3A_286 = arith.constant 208 : index
    %get3A_287 = tpu.vector_load %arg5[%get3A_286] {strides = array<i32>} : memref<512xf32, #tpu.memory_space<vmem>>, vector<16xf32>,
    %get3A_288 = vector.shape_cast %get3A_287 : vector<16xf32> to vector<16xf32>
    %div3A_289 = arith.constant 1.000000e+02 : f32
    %div3A_290 = vector.broadcast %div3A_289 : f32 to vector<16xf32>
    %div3A_291 = arith.divf %get3A_288, %div3A_290 : vector<16xf32>
    %mul3A_292 = arith.constant 1.000000e+03 : f32
    %mul3A_293 = vector.broadcast %mul3A_292 : f32 to vector<16xf32>
    %mul3A_294 = arith.mulf %div3A_291, %mul3A_293 : vector<16xf32>
    %convert_element_type3A_295 = arith.fptosi %mul3A_294 : vector<16xf32> to vector<16xi32>
    %jit3A_296 = arith.constant 0 : i32
    %jit3A_297 = arith.constant 999 : i32
    %max3A_298 = vector.broadcast %jit3A_296 : i32 to vector<16xi32>
    %max3A_299 = arith.maxsi %max3A_298, %convert_element_type3A_295 : vector<16xi32>
    %min3A_300 = vector.broadcast %jit3A_297 : i32 to vector<16xi32>
    %min3A_301 = arith.minsi %min3A_300, %max3A_299 : vector<16xi32>
    %swap3A_302 = arith.constant 3 : i32
    %swap3A_303 = arith.index_cast %swap3A_302 : i32 to index
    %swap3A_304 = arith.constant 16 : index
    %swap3A_305 = tpu.vector_load %arg6[%swap3A_303, %swap3A_304] {strides = array<i32>} : memref<8x64xi32, #tpu.memory_space<vmem>>, vector<1x16xi32>,
    %swap3A_306 = vector.shape_cast %swap3A_305 : vector<1x16xi32> to vector<16xi32>
    %swap3A_307 = vector.shape_cast %min3A_301 : vector<16xi32> to vector<1x16xi32>
    tpu.vector_store %arg6[%swap3A_303, %swap3A_304], %swap3A_307 {strides = array<i32>} : memref<8x64xi32, #tpu.memory_space<vmem>>, vector<1x16xi32>,
    %get3A_308 = arith.constant 224 : index
    %get3A_309 = tpu.vector_load %arg5[%get3A_308] {strides = array<i32>} : memref<512xf32, #tpu.memory_space<vmem>>, vector<16xf32>,
    %get3A_310 = vector.shape_cast %get3A_309 : vector<16xf32> to vector<16xf32>
    %div3A_311 = arith.constant 1.000000e+02 : f32
    %div3A_312 = vector.broadcast %div3A_311 : f32 to vector<16xf32>
    %div3A_313 = arith.divf %get3A_310, %div3A_312 : vector<16xf32>
    %mul3A_314 = arith.constant 1.000000e+03 : f32
    %mul3A_315 = vector.broadcast %mul3A_314 : f32 to vector<16xf32>
    %mul3A_316 = arith.mulf %div3A_313, %mul3A_315 : vector<16xf32>
    %convert_element_type3A_317 = arith.fptosi %mul3A_316 : vector<16xf32> to vector<16xi32>
    %jit3A_318 = arith.constant 0 : i32
    %jit3A_319 = arith.constant 999 : i32
    %max3A_320 = vector.broadcast %jit3A_318 : i32 to vector<16xi32>
    %max3A_321 = arith.maxsi %max3A_320, %convert_element_type3A_317 : vector<16xi32>
    %min3A_322 = vector.broadcast %jit3A_319 : i32 to vector<16xi32>
    %min3A_323 = arith.minsi %min3A_322, %max3A_321 : vector<16xi32>
    %swap3A_324 = arith.constant 3 : i32
    %swap3A_325 = arith.index_cast %swap3A_324 : i32 to index
    %swap3A_326 = arith.constant 32 : index
    %swap3A_327 = tpu.vector_load %arg6[%swap3A_325, %swap3A_326] {strides = array<i32>} : memref<8x64xi32, #tpu.memory_space<vmem>>, vector<1x16xi32>,
    %swap3A_328 = vector.shape_cast %swap3A_327 : vector<1x16xi32> to vector<16xi32>
    %swap3A_329 = vector.shape_cast %min3A_323 : vector<16xi32> to vector<1x16xi32>
    tpu.vector_store %arg6[%swap3A_325, %swap3A_326], %swap3A_329 {strides = array<i32>} : memref<8x64xi32, #tpu.memory_space<vmem>>, vector<1x16xi32>,
    %get3A_330 = arith.constant 240 : index
    %get3A_331 = tpu.vector_load %arg5[%get3A_330] {strides = array<i32>} : memref<512xf32, #tpu.memory_space<vmem>>, vector<16xf32>,
    %get3A_332 = vector.shape_cast %get3A_331 : vector<16xf32> to vector<16xf32>
    %div3A_333 = arith.constant 1.000000e+02 : f32
    %div3A_334 = vector.broadcast %div3A_333 : f32 to vector<16xf32>
    %div3A_335 = arith.divf %get3A_332, %div3A_334 : vector<16xf32>
    %mul3A_336 = arith.constant 1.000000e+03 : f32
    %mul3A_337 = vector.broadcast %mul3A_336 : f32 to vector<16xf32>
    %mul3A_338 = arith.mulf %div3A_335, %mul3A_337 : vector<16xf32>
    %convert_element_type3A_339 = arith.fptosi %mul3A_338 : vector<16xf32> to vector<16xi32>
    %jit3A_340 = arith.constant 0 : i32
    %jit3A_341 = arith.constant 999 : i32
    %max3A_342 = vector.broadcast %jit3A_340 : i32 to vector<16xi32>
    %max3A_343 = arith.maxsi %max3A_342, %convert_element_type3A_339 : vector<16xi32>
    %min3A_344 = vector.broadcast %jit3A_341 : i32 to vector<16xi32>
    %min3A_345 = arith.minsi %min3A_344, %max3A_343 : vector<16xi32>
    %swap3A_346 = arith.constant 3 : i32
    %swap3A_347 = arith.index_cast %swap3A_346 : i32 to index
    %swap3A_348 = arith.constant 48 : index
    %swap3A_349 = tpu.vector_load %arg6[%swap3A_347, %swap3A_348] {strides = array<i32>} : memref<8x64xi32, #tpu.memory_space<vmem>>, vector<1x16xi32>,
    %swap3A_350 = vector.shape_cast %swap3A_349 : vector<1x16xi32> to vector<16xi32>
    %swap3A_351 = vector.shape_cast %min3A_345 : vector<16xi32> to vector<1x16xi32>
    tpu.vector_store %arg6[%swap3A_347, %swap3A_348], %swap3A_351 {strides = array<i32>} : memref<8x64xi32, #tpu.memory_space<vmem>>, vector<1x16xi32>,
    %get3A_352 = arith.constant 256 : index
    %get3A_353 = tpu.vector_load %arg5[%get3A_352] {strides = array<i32>} : memref<512xf32, #tpu.memory_space<vmem>>, vector<16xf32>,
    %get3A_354 = vector.shape_cast %get3A_353 : vector<16xf32> to vector<16xf32>
    %div3A_355 = arith.constant 1.000000e+02 : f32
    %div3A_356 = vector.broadcast %div3A_355 : f32 to vector<16xf32>
    %div3A_357 = arith.divf %get3A_354, %div3A_356 : vector<16xf32>
    %mul3A_358 = arith.constant 1.000000e+03 : f32
    %mul3A_359 = vector.broadcast %mul3A_358 : f32 to vector<16xf32>
    %mul3A_360 = arith.mulf %div3A_357, %mul3A_359 : vector<16xf32>
    %convert_element_type3A_361 = arith.fptosi %mul3A_360 : vector<16xf32> to vector<16xi32>
    %jit3A_362 = arith.constant 0 : i32
    %jit3A_363 = arith.constant 999 : i32
    %max3A_364 = vector.broadcast %jit3A_362 : i32 to vector<16xi32>
    %max3A_365 = arith.maxsi %max3A_364, %convert_element_type3A_361 : vector<16xi32>
    %min3A_366 = vector.broadcast %jit3A_363 : i32 to vector<16xi32>
    %min3A_367 = arith.minsi %min3A_366, %max3A_365 : vector<16xi32>
    %swap3A_368 = arith.constant 4 : i32
    %swap3A_369 = arith.index_cast %swap3A_368 : i32 to index
    %swap3A_370 = arith.constant 0 : index
    %swap3A_371 = tpu.vector_load %arg6[%swap3A_369, %swap3A_370] {strides = array<i32>} : memref<8x64xi32, #tpu.memory_space<vmem>>, vector<1x16xi32>,
    %swap3A_372 = vector.shape_cast %swap3A_371 : vector<1x16xi32> to vector<16xi32>
    %swap3A_373 = vector.shape_cast %min3A_367 : vector<16xi32> to vector<1x16xi32>
    tpu.vector_store %arg6[%swap3A_369, %swap3A_370], %swap3A_373 {strides = array<i32>} : memref<8x64xi32, #tpu.memory_space<vmem>>, vector<1x16xi32>,
    %get3A_374 = arith.constant 272 : index
    %get3A_375 = tpu.vector_load %arg5[%get3A_374] {strides = array<i32>} : memref<512xf32, #tpu.memory_space<vmem>>, vector<16xf32>,
    %get3A_376 = vector.shape_cast %get3A_375 : vector<16xf32> to vector<16xf32>
    %div3A_377 = arith.constant 1.000000e+02 : f32
    %div3A_378 = vector.broadcast %div3A_377 : f32 to vector<16xf32>
    %div3A_379 = arith.divf %get3A_376, %div3A_378 : vector<16xf32>
    %mul3A_380 = arith.constant 1.000000e+03 : f32
    %mul3A_381 = vector.broadcast %mul3A_380 : f32 to vector<16xf32>
    %mul3A_382 = arith.mulf %div3A_379, %mul3A_381 : vector<16xf32>
    %convert_element_type3A_383 = arith.fptosi %mul3A_382 : vector<16xf32> to vector<16xi32>
    %jit3A_384 = arith.constant 0 : i32
    %jit3A_385 = arith.constant 999 : i32
    %max3A_386 = vector.broadcast %jit3A_384 : i32 to vector<16xi32>
    %max3A_387 = arith.maxsi %max3A_386, %convert_element_type3A_383 : vector<16xi32>
    %min3A_388 = vector.broadcast %jit3A_385 : i32 to vector<16xi32>
    %min3A_389 = arith.minsi %min3A_388, %max3A_387 : vector<16xi32>
    %swap3A_390 = arith.constant 4 : i32
    %swap3A_391 = arith.index_cast %swap3A_390 : i32 to index
    %swap3A_392 = arith.constant 16 : index
    %swap3A_393 = tpu.vector_load %arg6[%swap3A_391, %swap3A_392] {strides = array<i32>} : memref<8x64xi32, #tpu.memory_space<vmem>>, vector<1x16xi32>,
    %swap3A_394 = vector.shape_cast %swap3A_393 : vector<1x16xi32> to vector<16xi32>
    %swap3A_395 = vector.shape_cast %min3A_389 : vector<16xi32> to vector<1x16xi32>
    tpu.vector_store %arg6[%swap3A_391, %swap3A_392], %swap3A_395 {strides = array<i32>} : memref<8x64xi32, #tpu.memory_space<vmem>>, vector<1x16xi32>,
    %get3A_396 = arith.constant 288 : index
    %get3A_397 = tpu.vector_load %arg5[%get3A_396] {strides = array<i32>} : memref<512xf32, #tpu.memory_space<vmem>>, vector<16xf32>,
    %get3A_398 = vector.shape_cast %get3A_397 : vector<16xf32> to vector<16xf32>
    %div3A_399 = arith.constant 1.000000e+02 : f32
    %div3A_400 = vector.broadcast %div3A_399 : f32 to vector<16xf32>
    %div3A_401 = arith.divf %get3A_398, %div3A_400 : vector<16xf32>
    %mul3A_402 = arith.constant 1.000000e+03 : f32
    %mul3A_403 = vector.broadcast %mul3A_402 : f32 to vector<16xf32>
    %mul3A_404 = arith.mulf %div3A_401, %mul3A_403 : vector<16xf32>
    %convert_element_type3A_405 = arith.fptosi %mul3A_404 : vector<16xf32> to vector<16xi32>
    %jit3A_406 = arith.constant 0 : i32
    %jit3A_407 = arith.constant 999 : i32
    %max3A_408 = vector.broadcast %jit3A_406 : i32 to vector<16xi32>
    %max3A_409 = arith.maxsi %max3A_408, %convert_element_type3A_405 : vector<16xi32>
    %min3A_410 = vector.broadcast %jit3A_407 : i32 to vector<16xi32>
    %min3A_411 = arith.minsi %min3A_410, %max3A_409 : vector<16xi32>
    %swap3A_412 = arith.constant 4 : i32
    %swap3A_413 = arith.index_cast %swap3A_412 : i32 to index
    %swap3A_414 = arith.constant 32 : index
    %swap3A_415 = tpu.vector_load %arg6[%swap3A_413, %swap3A_414] {strides = array<i32>} : memref<8x64xi32, #tpu.memory_space<vmem>>, vector<1x16xi32>,
    %swap3A_416 = vector.shape_cast %swap3A_415 : vector<1x16xi32> to vector<16xi32>
    %swap3A_417 = vector.shape_cast %min3A_411 : vector<16xi32> to vector<1x16xi32>
    tpu.vector_store %arg6[%swap3A_413, %swap3A_414], %swap3A_417 {strides = array<i32>} : memref<8x64xi32, #tpu.memory_space<vmem>>, vector<1x16xi32>,
    %get3A_418 = arith.constant 304 : index
    %get3A_419 = tpu.vector_load %arg5[%get3A_418] {strides = array<i32>} : memref<512xf32, #tpu.memory_space<vmem>>, vector<16xf32>,
    %get3A_420 = vector.shape_cast %get3A_419 : vector<16xf32> to vector<16xf32>
    %div3A_421 = arith.constant 1.000000e+02 : f32
    %div3A_422 = vector.broadcast %div3A_421 : f32 to vector<16xf32>
    %div3A_423 = arith.divf %get3A_420, %div3A_422 : vector<16xf32>
    %mul3A_424 = arith.constant 1.000000e+03 : f32
    %mul3A_425 = vector.broadcast %mul3A_424 : f32 to vector<16xf32>
    %mul3A_426 = arith.mulf %div3A_423, %mul3A_425 : vector<16xf32>
    %convert_element_type3A_427 = arith.fptosi %mul3A_426 : vector<16xf32> to vector<16xi32>
    %jit3A_428 = arith.constant 0 : i32
    %jit3A_429 = arith.constant 999 : i32
    %max3A_430 = vector.broadcast %jit3A_428 : i32 to vector<16xi32>
    %max3A_431 = arith.maxsi %max3A_430, %convert_element_type3A_427 : vector<16xi32>
    %min3A_432 = vector.broadcast %jit3A_429 : i32 to vector<16xi32>
    %min3A_433 = arith.minsi %min3A_432, %max3A_431 : vector<16xi32>
    %swap3A_434 = arith.constant 4 : i32
    %swap3A_435 = arith.index_cast %swap3A_434 : i32 to index
    %swap3A_436 = arith.constant 48 : index
    %swap3A_437 = tpu.vector_load %arg6[%swap3A_435, %swap3A_436] {strides = array<i32>} : memref<8x64xi32, #tpu.memory_space<vmem>>, vector<1x16xi32>,
    %swap3A_438 = vector.shape_cast %swap3A_437 : vector<1x16xi32> to vector<16xi32>
    %swap3A_439 = vector.shape_cast %min3A_433 : vector<16xi32> to vector<1x16xi32>
    tpu.vector_store %arg6[%swap3A_435, %swap3A_436], %swap3A_439 {strides = array<i32>} : memref<8x64xi32, #tpu.memory_space<vmem>>, vector<1x16xi32>,
    %get3A_440 = arith.constant 320 : index
    %get3A_441 = tpu.vector_load %arg5[%get3A_440] {strides = array<i32>} : memref<512xf32, #tpu.memory_space<vmem>>, vector<16xf32>,
    %get3A_442 = vector.shape_cast %get3A_441 : vector<16xf32> to vector<16xf32>
    %div3A_443 = arith.constant 1.000000e+02 : f32
    %div3A_444 = vector.broadcast %div3A_443 : f32 to vector<16xf32>
    %div3A_445 = arith.divf %get3A_442, %div3A_444 : vector<16xf32>
    %mul3A_446 = arith.constant 1.000000e+03 : f32
    %mul3A_447 = vector.broadcast %mul3A_446 : f32 to vector<16xf32>
    %mul3A_448 = arith.mulf %div3A_445, %mul3A_447 : vector<16xf32>
    %convert_element_type3A_449 = arith.fptosi %mul3A_448 : vector<16xf32> to vector<16xi32>
    %jit3A_450 = arith.constant 0 : i32
    %jit3A_451 = arith.constant 999 : i32
    %max3A_452 = vector.broadcast %jit3A_450 : i32 to vector<16xi32>
    %max3A_453 = arith.maxsi %max3A_452, %convert_element_type3A_449 : vector<16xi32>
    %min3A_454 = vector.broadcast %jit3A_451 : i32 to vector<16xi32>
    %min3A_455 = arith.minsi %min3A_454, %max3A_453 : vector<16xi32>
    %swap3A_456 = arith.constant 5 : i32
    %swap3A_457 = arith.index_cast %swap3A_456 : i32 to index
    %swap3A_458 = arith.constant 0 : index
    %swap3A_459 = tpu.vector_load %arg6[%swap3A_457, %swap3A_458] {strides = array<i32>} : memref<8x64xi32, #tpu.memory_space<vmem>>, vector<1x16xi32>,
    %swap3A_460 = vector.shape_cast %swap3A_459 : vector<1x16xi32> to vector<16xi32>
    %swap3A_461 = vector.shape_cast %min3A_455 : vector<16xi32> to vector<1x16xi32>
    tpu.vector_store %arg6[%swap3A_457, %swap3A_458], %swap3A_461 {strides = array<i32>} : memref<8x64xi32, #tpu.memory_space<vmem>>, vector<1x16xi32>,
    %get3A_462 = arith.constant 336 : index
    %get3A_463 = tpu.vector_load %arg5[%get3A_462] {strides = array<i32>} : memref<512xf32, #tpu.memory_space<vmem>>, vector<16xf32>,
    %get3A_464 = vector.shape_cast %get3A_463 : vector<16xf32> to vector<16xf32>
    %div3A_465 = arith.constant 1.000000e+02 : f32
    %div3A_466 = vector.broadcast %div3A_465 : f32 to vector<16xf32>
    %div3A_467 = arith.divf %get3A_464, %div3A_466 : vector<16xf32>
    %mul3A_468 = arith.constant 1.000000e+03 : f32
    %mul3A_469 = vector.broadcast %mul3A_468 : f32 to vector<16xf32>
    %mul3A_470 = arith.mulf %div3A_467, %mul3A_469 : vector<16xf32>
    %convert_element_type3A_471 = arith.fptosi %mul3A_470 : vector<16xf32> to vector<16xi32>
    %jit3A_472 = arith.constant 0 : i32
    %jit3A_473 = arith.constant 999 : i32
    %max3A_474 = vector.broadcast %jit3A_472 : i32 to vector<16xi32>
    %max3A_475 = arith.maxsi %max3A_474, %convert_element_type3A_471 : vector<16xi32>
    %min3A_476 = vector.broadcast %jit3A_473 : i32 to vector<16xi32>
    %min3A_477 = arith.minsi %min3A_476, %max3A_475 : vector<16xi32>
    %swap3A_478 = arith.constant 5 : i32
    %swap3A_479 = arith.index_cast %swap3A_478 : i32 to index
    %swap3A_480 = arith.constant 16 : index
    %swap3A_481 = tpu.vector_load %arg6[%swap3A_479, %swap3A_480] {strides = array<i32>} : memref<8x64xi32, #tpu.memory_space<vmem>>, vector<1x16xi32>,
    %swap3A_482 = vector.shape_cast %swap3A_481 : vector<1x16xi32> to vector<16xi32>
    %swap3A_483 = vector.shape_cast %min3A_477 : vector<16xi32> to vector<1x16xi32>
    tpu.vector_store %arg6[%swap3A_479, %swap3A_480], %swap3A_483 {strides = array<i32>} : memref<8x64xi32, #tpu.memory_space<vmem>>, vector<1x16xi32>,
    %get3A_484 = arith.constant 352 : index
    %get3A_485 = tpu.vector_load %arg5[%get3A_484] {strides = array<i32>} : memref<512xf32, #tpu.memory_space<vmem>>, vector<16xf32>,
    %get3A_486 = vector.shape_cast %get3A_485 : vector<16xf32> to vector<16xf32>
    %div3A_487 = arith.constant 1.000000e+02 : f32
    %div3A_488 = vector.broadcast %div3A_487 : f32 to vector<16xf32>
    %div3A_489 = arith.divf %get3A_486, %div3A_488 : vector<16xf32>
    %mul3A_490 = arith.constant 1.000000e+03 : f32
    %mul3A_491 = vector.broadcast %mul3A_490 : f32 to vector<16xf32>
    %mul3A_492 = arith.mulf %div3A_489, %mul3A_491 : vector<16xf32>
    %convert_element_type3A_493 = arith.fptosi %mul3A_492 : vector<16xf32> to vector<16xi32>
    %jit3A_494 = arith.constant 0 : i32
    %jit3A_495 = arith.constant 999 : i32
    %max3A_496 = vector.broadcast %jit3A_494 : i32 to vector<16xi32>
    %max3A_497 = arith.maxsi %max3A_496, %convert_element_type3A_493 : vector<16xi32>
    %min3A_498 = vector.broadcast %jit3A_495 : i32 to vector<16xi32>
    %min3A_499 = arith.minsi %min3A_498, %max3A_497 : vector<16xi32>
    %swap3A_500 = arith.constant 5 : i32
    %swap3A_501 = arith.index_cast %swap3A_500 : i32 to index
    %swap3A_502 = arith.constant 32 : index
    %swap3A_503 = tpu.vector_load %arg6[%swap3A_501, %swap3A_502] {strides = array<i32>} : memref<8x64xi32, #tpu.memory_space<vmem>>, vector<1x16xi32>,
    %swap3A_504 = vector.shape_cast %swap3A_503 : vector<1x16xi32> to vector<16xi32>
    %swap3A_505 = vector.shape_cast %min3A_499 : vector<16xi32> to vector<1x16xi32>
    tpu.vector_store %arg6[%swap3A_501, %swap3A_502], %swap3A_505 {strides = array<i32>} : memref<8x64xi32, #tpu.memory_space<vmem>>, vector<1x16xi32>,
    %get3A_506 = arith.constant 368 : index
    %get3A_507 = tpu.vector_load %arg5[%get3A_506] {strides = array<i32>} : memref<512xf32, #tpu.memory_space<vmem>>, vector<16xf32>,
    %get3A_508 = vector.shape_cast %get3A_507 : vector<16xf32> to vector<16xf32>
    %div3A_509 = arith.constant 1.000000e+02 : f32
    %div3A_510 = vector.broadcast %div3A_509 : f32 to vector<16xf32>
    %div3A_511 = arith.divf %get3A_508, %div3A_510 : vector<16xf32>
    %mul3A_512 = arith.constant 1.000000e+03 : f32
    %mul3A_513 = vector.broadcast %mul3A_512 : f32 to vector<16xf32>
    %mul3A_514 = arith.mulf %div3A_511, %mul3A_513 : vector<16xf32>
    %convert_element_type3A_515 = arith.fptosi %mul3A_514 : vector<16xf32> to vector<16xi32>
    %jit3A_516 = arith.constant 0 : i32
    %jit3A_517 = arith.constant 999 : i32
    %max3A_518 = vector.broadcast %jit3A_516 : i32 to vector<16xi32>
    %max3A_519 = arith.maxsi %max3A_518, %convert_element_type3A_515 : vector<16xi32>
    %min3A_520 = vector.broadcast %jit3A_517 : i32 to vector<16xi32>
    %min3A_521 = arith.minsi %min3A_520, %max3A_519 : vector<16xi32>
    %swap3A_522 = arith.constant 5 : i32
    %swap3A_523 = arith.index_cast %swap3A_522 : i32 to index
    %swap3A_524 = arith.constant 48 : index
    %swap3A_525 = tpu.vector_load %arg6[%swap3A_523, %swap3A_524] {strides = array<i32>} : memref<8x64xi32, #tpu.memory_space<vmem>>, vector<1x16xi32>,
    %swap3A_526 = vector.shape_cast %swap3A_525 : vector<1x16xi32> to vector<16xi32>
    %swap3A_527 = vector.shape_cast %min3A_521 : vector<16xi32> to vector<1x16xi32>
    tpu.vector_store %arg6[%swap3A_523, %swap3A_524], %swap3A_527 {strides = array<i32>} : memref<8x64xi32, #tpu.memory_space<vmem>>, vector<1x16xi32>,
    %get3A_528 = arith.constant 384 : index
    %get3A_529 = tpu.vector_load %arg5[%get3A_528] {strides = array<i32>} : memref<512xf32, #tpu.memory_space<vmem>>, vector<16xf32>,
    %get3A_530 = vector.shape_cast %get3A_529 : vector<16xf32> to vector<16xf32>
    %div3A_531 = arith.constant 1.000000e+02 : f32
    %div3A_532 = vector.broadcast %div3A_531 : f32 to vector<16xf32>
    %div3A_533 = arith.divf %get3A_530, %div3A_532 : vector<16xf32>
    %mul3A_534 = arith.constant 1.000000e+03 : f32
    %mul3A_535 = vector.broadcast %mul3A_534 : f32 to vector<16xf32>
    %mul3A_536 = arith.mulf %div3A_533, %mul3A_535 : vector<16xf32>
    %convert_element_type3A_537 = arith.fptosi %mul3A_536 : vector<16xf32> to vector<16xi32>
    %jit3A_538 = arith.constant 0 : i32
    %jit3A_539 = arith.constant 999 : i32
    %max3A_540 = vector.broadcast %jit3A_538 : i32 to vector<16xi32>
    %max3A_541 = arith.maxsi %max3A_540, %convert_element_type3A_537 : vector<16xi32>
    %min3A_542 = vector.broadcast %jit3A_539 : i32 to vector<16xi32>
    %min3A_543 = arith.minsi %min3A_542, %max3A_541 : vector<16xi32>
    %swap3A_544 = arith.constant 6 : i32
    %swap3A_545 = arith.index_cast %swap3A_544 : i32 to index
    %swap3A_546 = arith.constant 0 : index
    %swap3A_547 = tpu.vector_load %arg6[%swap3A_545, %swap3A_546] {strides = array<i32>} : memref<8x64xi32, #tpu.memory_space<vmem>>, vector<1x16xi32>,
    %swap3A_548 = vector.shape_cast %swap3A_547 : vector<1x16xi32> to vector<16xi32>
    %swap3A_549 = vector.shape_cast %min3A_543 : vector<16xi32> to vector<1x16xi32>
    tpu.vector_store %arg6[%swap3A_545, %swap3A_546], %swap3A_549 {strides = array<i32>} : memref<8x64xi32, #tpu.memory_space<vmem>>, vector<1x16xi32>,
    %get3A_550 = arith.constant 400 : index
    %get3A_551 = tpu.vector_load %arg5[%get3A_550] {strides = array<i32>} : memref<512xf32, #tpu.memory_space<vmem>>, vector<16xf32>,
    %get3A_552 = vector.shape_cast %get3A_551 : vector<16xf32> to vector<16xf32>
    %div3A_553 = arith.constant 1.000000e+02 : f32
    %div3A_554 = vector.broadcast %div3A_553 : f32 to vector<16xf32>
    %div3A_555 = arith.divf %get3A_552, %div3A_554 : vector<16xf32>
    %mul3A_556 = arith.constant 1.000000e+03 : f32
    %mul3A_557 = vector.broadcast %mul3A_556 : f32 to vector<16xf32>
    %mul3A_558 = arith.mulf %div3A_555, %mul3A_557 : vector<16xf32>
    %convert_element_type3A_559 = arith.fptosi %mul3A_558 : vector<16xf32> to vector<16xi32>
    %jit3A_560 = arith.constant 0 : i32
    %jit3A_561 = arith.constant 999 : i32
    %max3A_562 = vector.broadcast %jit3A_560 : i32 to vector<16xi32>
    %max3A_563 = arith.maxsi %max3A_562, %convert_element_type3A_559 : vector<16xi32>
    %min3A_564 = vector.broadcast %jit3A_561 : i32 to vector<16xi32>
    %min3A_565 = arith.minsi %min3A_564, %max3A_563 : vector<16xi32>
    %swap3A_566 = arith.constant 6 : i32
    %swap3A_567 = arith.index_cast %swap3A_566 : i32 to index
    %swap3A_568 = arith.constant 16 : index
    %swap3A_569 = tpu.vector_load %arg6[%swap3A_567, %swap3A_568] {strides = array<i32>} : memref<8x64xi32, #tpu.memory_space<vmem>>, vector<1x16xi32>,
    %swap3A_570 = vector.shape_cast %swap3A_569 : vector<1x16xi32> to vector<16xi32>
    %swap3A_571 = vector.shape_cast %min3A_565 : vector<16xi32> to vector<1x16xi32>
    tpu.vector_store %arg6[%swap3A_567, %swap3A_568], %swap3A_571 {strides = array<i32>} : memref<8x64xi32, #tpu.memory_space<vmem>>, vector<1x16xi32>,
    %get3A_572 = arith.constant 416 : index
    %get3A_573 = tpu.vector_load %arg5[%get3A_572] {strides = array<i32>} : memref<512xf32, #tpu.memory_space<vmem>>, vector<16xf32>,
    %get3A_574 = vector.shape_cast %get3A_573 : vector<16xf32> to vector<16xf32>
    %div3A_575 = arith.constant 1.000000e+02 : f32
    %div3A_576 = vector.broadcast %div3A_575 : f32 to vector<16xf32>
    %div3A_577 = arith.divf %get3A_574, %div3A_576 : vector<16xf32>
    %mul3A_578 = arith.constant 1.000000e+03 : f32
    %mul3A_579 = vector.broadcast %mul3A_578 : f32 to vector<16xf32>
    %mul3A_580 = arith.mulf %div3A_577, %mul3A_579 : vector<16xf32>
    %convert_element_type3A_581 = arith.fptosi %mul3A_580 : vector<16xf32> to vector<16xi32>
    %jit3A_582 = arith.constant 0 : i32
    %jit3A_583 = arith.constant 999 : i32
    %max3A_584 = vector.broadcast %jit3A_582 : i32 to vector<16xi32>
    %max3A_585 = arith.maxsi %max3A_584, %convert_element_type3A_581 : vector<16xi32>
    %min3A_586 = vector.broadcast %jit3A_583 : i32 to vector<16xi32>
    %min3A_587 = arith.minsi %min3A_586, %max3A_585 : vector<16xi32>
    %swap3A_588 = arith.constant 6 : i32
    %swap3A_589 = arith.index_cast %swap3A_588 : i32 to index
    %swap3A_590 = arith.constant 32 : index
    %swap3A_591 = tpu.vector_load %arg6[%swap3A_589, %swap3A_590] {strides = array<i32>} : memref<8x64xi32, #tpu.memory_space<vmem>>, vector<1x16xi32>,
    %swap3A_592 = vector.shape_cast %swap3A_591 : vector<1x16xi32> to vector<16xi32>
    %swap3A_593 = vector.shape_cast %min3A_587 : vector<16xi32> to vector<1x16xi32>
    tpu.vector_store %arg6[%swap3A_589, %swap3A_590], %swap3A_593 {strides = array<i32>} : memref<8x64xi32, #tpu.memory_space<vmem>>, vector<1x16xi32>,
    %get3A_594 = arith.constant 432 : index
    %get3A_595 = tpu.vector_load %arg5[%get3A_594] {strides = array<i32>} : memref<512xf32, #tpu.memory_space<vmem>>, vector<16xf32>,
    %get3A_596 = vector.shape_cast %get3A_595 : vector<16xf32> to vector<16xf32>
    %div3A_597 = arith.constant 1.000000e+02 : f32
    %div3A_598 = vector.broadcast %div3A_597 : f32 to vector<16xf32>
    %div3A_599 = arith.divf %get3A_596, %div3A_598 : vector<16xf32>
    %mul3A_600 = arith.constant 1.000000e+03 : f32
    %mul3A_601 = vector.broadcast %mul3A_600 : f32 to vector<16xf32>
    %mul3A_602 = arith.mulf %div3A_599, %mul3A_601 : vector<16xf32>
    %convert_element_type3A_603 = arith.fptosi %mul3A_602 : vector<16xf32> to vector<16xi32>
    %jit3A_604 = arith.constant 0 : i32
    %jit3A_605 = arith.constant 999 : i32
    %max3A_606 = vector.broadcast %jit3A_604 : i32 to vector<16xi32>
    %max3A_607 = arith.maxsi %max3A_606, %convert_element_type3A_603 : vector<16xi32>
    %min3A_608 = vector.broadcast %jit3A_605 : i32 to vector<16xi32>
    %min3A_609 = arith.minsi %min3A_608, %max3A_607 : vector<16xi32>
    %swap3A_610 = arith.constant 6 : i32
    %swap3A_611 = arith.index_cast %swap3A_610 : i32 to index
    %swap3A_612 = arith.constant 48 : index
    %swap3A_613 = tpu.vector_load %arg6[%swap3A_611, %swap3A_612] {strides = array<i32>} : memref<8x64xi32, #tpu.memory_space<vmem>>, vector<1x16xi32>,
    %swap3A_614 = vector.shape_cast %swap3A_613 : vector<1x16xi32> to vector<16xi32>
    %swap3A_615 = vector.shape_cast %min3A_609 : vector<16xi32> to vector<1x16xi32>
    tpu.vector_store %arg6[%swap3A_611, %swap3A_612], %swap3A_615 {strides = array<i32>} : memref<8x64xi32, #tpu.memory_space<vmem>>, vector<1x16xi32>,
    %get3A_616 = arith.constant 448 : index
    %get3A_617 = tpu.vector_load %arg5[%get3A_616] {strides = array<i32>} : memref<512xf32, #tpu.memory_space<vmem>>, vector<16xf32>,
    %get3A_618 = vector.shape_cast %get3A_617 : vector<16xf32> to vector<16xf32>
    %div3A_619 = arith.constant 1.000000e+02 : f32
    %div3A_620 = vector.broadcast %div3A_619 : f32 to vector<16xf32>
    %div3A_621 = arith.divf %get3A_618, %div3A_620 : vector<16xf32>
    %mul3A_622 = arith.constant 1.000000e+03 : f32
    %mul3A_623 = vector.broadcast %mul3A_622 : f32 to vector<16xf32>
    %mul3A_624 = arith.mulf %div3A_621, %mul3A_623 : vector<16xf32>
    %convert_element_type3A_625 = arith.fptosi %mul3A_624 : vector<16xf32> to vector<16xi32>
    %jit3A_626 = arith.constant 0 : i32
    %jit3A_627 = arith.constant 999 : i32
    %max3A_628 = vector.broadcast %jit3A_626 : i32 to vector<16xi32>
    %max3A_629 = arith.maxsi %max3A_628, %convert_element_type3A_625 : vector<16xi32>
    %min3A_630 = vector.broadcast %jit3A_627 : i32 to vector<16xi32>
    %min3A_631 = arith.minsi %min3A_630, %max3A_629 : vector<16xi32>
    %swap3A_632 = arith.constant 7 : i32
    %swap3A_633 = arith.index_cast %swap3A_632 : i32 to index
    %swap3A_634 = arith.constant 0 : index
    %swap3A_635 = tpu.vector_load %arg6[%swap3A_633, %swap3A_634] {strides = array<i32>} : memref<8x64xi32, #tpu.memory_space<vmem>>, vector<1x16xi32>,
    %swap3A_636 = vector.shape_cast %swap3A_635 : vector<1x16xi32> to vector<16xi32>
    %swap3A_637 = vector.shape_cast %min3A_631 : vector<16xi32> to vector<1x16xi32>
    tpu.vector_store %arg6[%swap3A_633, %swap3A_634], %swap3A_637 {strides = array<i32>} : memref<8x64xi32, #tpu.memory_space<vmem>>, vector<1x16xi32>,
    %get3A_638 = arith.constant 464 : index
    %get3A_639 = tpu.vector_load %arg5[%get3A_638] {strides = array<i32>} : memref<512xf32, #tpu.memory_space<vmem>>, vector<16xf32>,
    %get3A_640 = vector.shape_cast %get3A_639 : vector<16xf32> to vector<16xf32>
    %div3A_641 = arith.constant 1.000000e+02 : f32
    %div3A_642 = vector.broadcast %div3A_641 : f32 to vector<16xf32>
    %div3A_643 = arith.divf %get3A_640, %div3A_642 : vector<16xf32>
    %mul3A_644 = arith.constant 1.000000e+03 : f32
    %mul3A_645 = vector.broadcast %mul3A_644 : f32 to vector<16xf32>
    %mul3A_646 = arith.mulf %div3A_643, %mul3A_645 : vector<16xf32>
    %convert_element_type3A_647 = arith.fptosi %mul3A_646 : vector<16xf32> to vector<16xi32>
    %jit3A_648 = arith.constant 0 : i32
    %jit3A_649 = arith.constant 999 : i32
    %max3A_650 = vector.broadcast %jit3A_648 : i32 to vector<16xi32>
    %max3A_651 = arith.maxsi %max3A_650, %convert_element_type3A_647 : vector<16xi32>
    %min3A_652 = vector.broadcast %jit3A_649 : i32 to vector<16xi32>
    %min3A_653 = arith.minsi %min3A_652, %max3A_651 : vector<16xi32>
    %swap3A_654 = arith.constant 7 : i32
    %swap3A_655 = arith.index_cast %swap3A_654 : i32 to index
    %swap3A_656 = arith.constant 16 : index
    %swap3A_657 = tpu.vector_load %arg6[%swap3A_655, %swap3A_656] {strides = array<i32>} : memref<8x64xi32, #tpu.memory_space<vmem>>, vector<1x16xi32>,
    %swap3A_658 = vector.shape_cast %swap3A_657 : vector<1x16xi32> to vector<16xi32>
    %swap3A_659 = vector.shape_cast %min3A_653 : vector<16xi32> to vector<1x16xi32>
    tpu.vector_store %arg6[%swap3A_655, %swap3A_656], %swap3A_659 {strides = array<i32>} : memref<8x64xi32, #tpu.memory_space<vmem>>, vector<1x16xi32>,
    %get3A_660 = arith.constant 480 : index
    %get3A_661 = tpu.vector_load %arg5[%get3A_660] {strides = array<i32>} : memref<512xf32, #tpu.memory_space<vmem>>, vector<16xf32>,
    %get3A_662 = vector.shape_cast %get3A_661 : vector<16xf32> to vector<16xf32>
    %div3A_663 = arith.constant 1.000000e+02 : f32
    %div3A_664 = vector.broadcast %div3A_663 : f32 to vector<16xf32>
    %div3A_665 = arith.divf %get3A_662, %div3A_664 : vector<16xf32>
    %mul3A_666 = arith.constant 1.000000e+03 : f32
    %mul3A_667 = vector.broadcast %mul3A_666 : f32 to vector<16xf32>
    %mul3A_668 = arith.mulf %div3A_665, %mul3A_667 : vector<16xf32>
    %convert_element_type3A_669 = arith.fptosi %mul3A_668 : vector<16xf32> to vector<16xi32>
    %jit3A_670 = arith.constant 0 : i32
    %jit3A_671 = arith.constant 999 : i32
    %max3A_672 = vector.broadcast %jit3A_670 : i32 to vector<16xi32>
    %max3A_673 = arith.maxsi %max3A_672, %convert_element_type3A_669 : vector<16xi32>
    %min3A_674 = vector.broadcast %jit3A_671 : i32 to vector<16xi32>
    %min3A_675 = arith.minsi %min3A_674, %max3A_673 : vector<16xi32>
    %swap3A_676 = arith.constant 7 : i32
    %swap3A_677 = arith.index_cast %swap3A_676 : i32 to index
    %swap3A_678 = arith.constant 32 : index
    %swap3A_679 = tpu.vector_load %arg6[%swap3A_677, %swap3A_678] {strides = array<i32>} : memref<8x64xi32, #tpu.memory_space<vmem>>, vector<1x16xi32>,
    %swap3A_680 = vector.shape_cast %swap3A_679 : vector<1x16xi32> to vector<16xi32>
    %swap3A_681 = vector.shape_cast %min3A_675 : vector<16xi32> to vector<1x16xi32>
    tpu.vector_store %arg6[%swap3A_677, %swap3A_678], %swap3A_681 {strides = array<i32>} : memref<8x64xi32, #tpu.memory_space<vmem>>, vector<1x16xi32>,
    %get3A_682 = arith.constant 496 : index
    %get3A_683 = tpu.vector_load %arg5[%get3A_682] {strides = array<i32>} : memref<512xf32, #tpu.memory_space<vmem>>, vector<16xf32>,
    %get3A_684 = vector.shape_cast %get3A_683 : vector<16xf32> to vector<16xf32>
    %div3A_685 = arith.constant 1.000000e+02 : f32
    %div3A_686 = vector.broadcast %div3A_685 : f32 to vector<16xf32>
    %div3A_687 = arith.divf %get3A_684, %div3A_686 : vector<16xf32>
    %mul3A_688 = arith.constant 1.000000e+03 : f32
    %mul3A_689 = vector.broadcast %mul3A_688 : f32 to vector<16xf32>
    %mul3A_690 = arith.mulf %div3A_687, %mul3A_689 : vector<16xf32>
    %convert_element_type3A_691 = arith.fptosi %mul3A_690 : vector<16xf32> to vector<16xi32>
    %jit3A_692 = arith.constant 0 : i32
    %jit3A_693 = arith.constant 999 : i32
    %max3A_694 = vector.broadcast %jit3A_692 : i32 to vector<16xi32>
    %max3A_695 = arith.maxsi %max3A_694, %convert_element_type3A_691 : vector<16xi32>
    %min3A_696 = vector.broadcast %jit3A_693 : i32 to vector<16xi32>
    %min3A_697 = arith.minsi %min3A_696, %max3A_695 : vector<16xi32>
    %swap3A_698 = arith.constant 7 : i32
    %swap3A_699 = arith.index_cast %swap3A_698 : i32 to index
    %swap3A_700 = arith.constant 48 : index
    %swap3A_701 = tpu.vector_load %arg6[%swap3A_699, %swap3A_700] {strides = array<i32>} : memref<8x64xi32, #tpu.memory_space<vmem>>, vector<1x16xi32>,
    %swap3A_702 = vector.shape_cast %swap3A_701 : vector<1x16xi32> to vector<16xi32>
    %swap3A_703 = vector.shape_cast %min3A_697 : vector<16xi32> to vector<1x16xi32>
    tpu.vector_store %arg6[%swap3A_699, %swap3A_700], %swap3A_703 {strides = array<i32>} : memref<8x64xi32, #tpu.memory_space<vmem>>, vector<1x16xi32>,
    %barrier3A = arith.constant 0 : index
    tpu.barrier barrier_id(%barrier3A)
    %dma_start3A = arith.constant 0 : i32
    %dma_start3A_704 = arith.constant 0 : i32
    %dma_start3A_705 = arith.constant 0 : i32
    %dma_start3A_706 = tpu.memref_slice %arg7[%dma_start3A_704, %dma_start3A_705] : memref<512x128xf32, #tpu.memory_space<vmem>> -> memref<64x128xf32, #tpu.memory_space<vmem>>
    %dma_start3A_707 = arith.constant 0 : i32
    %dma_start3A_708 = tpu.memref_slice %arg6[%dma_start3A, %dma_start3A_707] : memref<8x64xi32, #tpu.memory_space<vmem>> -> memref<1x64xi32, #tpu.memory_space<vmem>>
    %dma_start3A_709 = tpu.memref_squeeze %dma_start3A_708 : memref<1x64xi32, #tpu.memory_space<vmem>> -> memref<64xi32, #tpu.memory_space<vmem>>
    %dma_start3A_710 = arith.constant 0 : i32
    %dma_start3A_711 = arith.constant 0 : i32
    %dma_start3A_712 = tpu.memref_slice %arg8[%dma_start3A_710, %dma_start3A_711] : memref<1000x128xf32, #tpu.memory_space<vmem_shared>> -> memref<1000x128xf32, #tpu.memory_space<vmem_shared>>
    tpu.enqueue_indirect_dma source(%dma_start3A_712 : memref<1000x128xf32, #tpu.memory_space<vmem_shared>>) target(%dma_start3A_706 : memref<64x128xf32, #tpu.memory_space<vmem>>) offsets(%dma_start3A_709 : memref<64xi32, #tpu.memory_space<vmem>>) semaphore(%arg9 : memref<!tpu.dma_semaphore, #tpu.memory_space<semaphore_mem>>)
    %dma_start3A_713 = arith.constant 1 : i32
    %dma_start3A_714 = arith.constant 64 : i32
    %dma_start3A_715 = arith.constant 0 : i32
    %dma_start3A_716 = tpu.memref_slice %arg7[%dma_start3A_714, %dma_start3A_715] : memref<512x128xf32, #tpu.memory_space<vmem>> -> memref<64x128xf32, #tpu.memory_space<vmem>>
    %dma_start3A_717 = arith.constant 0 : i32
    %dma_start3A_718 = tpu.memref_slice %arg6[%dma_start3A_713, %dma_start3A_717] : memref<8x64xi32, #tpu.memory_space<vmem>> -> memref<1x64xi32, #tpu.memory_space<vmem>>
    %dma_start3A_719 = tpu.memref_squeeze %dma_start3A_718 : memref<1x64xi32, #tpu.memory_space<vmem>> -> memref<64xi32, #tpu.memory_space<vmem>>
    %dma_start3A_720 = arith.constant 0 : i32
    %dma_start3A_721 = arith.constant 0 : i32
    %dma_start3A_722 = tpu.memref_slice %arg8[%dma_start3A_720, %dma_start3A_721] : memref<1000x128xf32, #tpu.memory_space<vmem_shared>> -> memref<1000x128xf32, #tpu.memory_space<vmem_shared>>
    tpu.enqueue_indirect_dma source(%dma_start3A_722 : memref<1000x128xf32, #tpu.memory_space<vmem_shared>>) target(%dma_start3A_716 : memref<64x128xf32, #tpu.memory_space<vmem>>) offsets(%dma_start3A_719 : memref<64xi32, #tpu.memory_space<vmem>>) semaphore(%arg10 : memref<!tpu.dma_semaphore, #tpu.memory_space<semaphore_mem>>)
    %dma_start3A_723 = arith.constant 2 : i32
    %dma_start3A_724 = arith.constant 128 : i32
    %dma_start3A_725 = arith.constant 0 : i32
    %dma_start3A_726 = tpu.memref_slice %arg7[%dma_start3A_724, %dma_start3A_725] : memref<512x128xf32, #tpu.memory_space<vmem>> -> memref<64x128xf32, #tpu.memory_space<vmem>>
    %dma_start3A_727 = arith.constant 0 : i32
    %dma_start3A_728 = tpu.memref_slice %arg6[%dma_start3A_723, %dma_start3A_727] : memref<8x64xi32, #tpu.memory_space<vmem>> -> memref<1x64xi32, #tpu.memory_space<vmem>>
    %dma_start3A_729 = tpu.memref_squeeze %dma_start3A_728 : memref<1x64xi32, #tpu.memory_space<vmem>> -> memref<64xi32, #tpu.memory_space<vmem>>
    %dma_start3A_730 = arith.constant 0 : i32
    %dma_start3A_731 = arith.constant 0 : i32
    %dma_start3A_732 = tpu.memref_slice %arg8[%dma_start3A_730, %dma_start3A_731] : memref<1000x128xf32, #tpu.memory_space<vmem_shared>> -> memref<1000x128xf32, #tpu.memory_space<vmem_shared>>
    tpu.enqueue_indirect_dma source(%dma_start3A_732 : memref<1000x128xf32, #tpu.memory_space<vmem_shared>>) target(%dma_start3A_726 : memref<64x128xf32, #tpu.memory_space<vmem>>) offsets(%dma_start3A_729 : memref<64xi32, #tpu.memory_space<vmem>>) semaphore(%arg11 : memref<!tpu.dma_semaphore, #tpu.memory_space<semaphore_mem>>)
    %dma_start3A_733 = arith.constant 3 : i32
    %dma_start3A_734 = arith.constant 192 : i32
    %dma_start3A_735 = arith.constant 0 : i32
    %dma_start3A_736 = tpu.memref_slice %arg7[%dma_start3A_734, %dma_start3A_735] : memref<512x128xf32, #tpu.memory_space<vmem>> -> memref<64x128xf32, #tpu.memory_space<vmem>>
    %dma_start3A_737 = arith.constant 0 : i32
    %dma_start3A_738 = tpu.memref_slice %arg6[%dma_start3A_733, %dma_start3A_737] : memref<8x64xi32, #tpu.memory_space<vmem>> -> memref<1x64xi32, #tpu.memory_space<vmem>>
    %dma_start3A_739 = tpu.memref_squeeze %dma_start3A_738 : memref<1x64xi32, #tpu.memory_space<vmem>> -> memref<64xi32, #tpu.memory_space<vmem>>
    %dma_start3A_740 = arith.constant 0 : i32
    %dma_start3A_741 = arith.constant 0 : i32
    %dma_start3A_742 = tpu.memref_slice %arg8[%dma_start3A_740, %dma_start3A_741] : memref<1000x128xf32, #tpu.memory_space<vmem_shared>> -> memref<1000x128xf32, #tpu.memory_space<vmem_shared>>
    tpu.enqueue_indirect_dma source(%dma_start3A_742 : memref<1000x128xf32, #tpu.memory_space<vmem_shared>>) target(%dma_start3A_736 : memref<64x128xf32, #tpu.memory_space<vmem>>) offsets(%dma_start3A_739 : memref<64xi32, #tpu.memory_space<vmem>>) semaphore(%arg12 : memref<!tpu.dma_semaphore, #tpu.memory_space<semaphore_mem>>)
    %dma_start3A_743 = arith.constant 4 : i32
    %dma_start3A_744 = arith.constant 256 : i32
    %dma_start3A_745 = arith.constant 0 : i32
    %dma_start3A_746 = tpu.memref_slice %arg7[%dma_start3A_744, %dma_start3A_745] : memref<512x128xf32, #tpu.memory_space<vmem>> -> memref<64x128xf32, #tpu.memory_space<vmem>>
    %dma_start3A_747 = arith.constant 0 : i32
    %dma_start3A_748 = tpu.memref_slice %arg6[%dma_start3A_743, %dma_start3A_747] : memref<8x64xi32, #tpu.memory_space<vmem>> -> memref<1x64xi32, #tpu.memory_space<vmem>>
    %dma_start3A_749 = tpu.memref_squeeze %dma_start3A_748 : memref<1x64xi32, #tpu.memory_space<vmem>> -> memref<64xi32, #tpu.memory_space<vmem>>
    %dma_start3A_750 = arith.constant 0 : i32
    %dma_start3A_751 = arith.constant 0 : i32
    %dma_start3A_752 = tpu.memref_slice %arg8[%dma_start3A_750, %dma_start3A_751] : memref<1000x128xf32, #tpu.memory_space<vmem_shared>> -> memref<1000x128xf32, #tpu.memory_space<vmem_shared>>
    tpu.enqueue_indirect_dma source(%dma_start3A_752 : memref<1000x128xf32, #tpu.memory_space<vmem_shared>>) target(%dma_start3A_746 : memref<64x128xf32, #tpu.memory_space<vmem>>) offsets(%dma_start3A_749 : memref<64xi32, #tpu.memory_space<vmem>>) semaphore(%arg13 : memref<!tpu.dma_semaphore, #tpu.memory_space<semaphore_mem>>)
    %dma_start3A_753 = arith.constant 5 : i32
    %dma_start3A_754 = arith.constant 320 : i32
    %dma_start3A_755 = arith.constant 0 : i32
    %dma_start3A_756 = tpu.memref_slice %arg7[%dma_start3A_754, %dma_start3A_755] : memref<512x128xf32, #tpu.memory_space<vmem>> -> memref<64x128xf32, #tpu.memory_space<vmem>>
    %dma_start3A_757 = arith.constant 0 : i32
    %dma_start3A_758 = tpu.memref_slice %arg6[%dma_start3A_753, %dma_start3A_757] : memref<8x64xi32, #tpu.memory_space<vmem>> -> memref<1x64xi32, #tpu.memory_space<vmem>>
    %dma_start3A_759 = tpu.memref_squeeze %dma_start3A_758 : memref<1x64xi32, #tpu.memory_space<vmem>> -> memref<64xi32, #tpu.memory_space<vmem>>
    %dma_start3A_760 = arith.constant 0 : i32
    %dma_start3A_761 = arith.constant 0 : i32
    %dma_start3A_762 = tpu.memref_slice %arg8[%dma_start3A_760, %dma_start3A_761] : memref<1000x128xf32, #tpu.memory_space<vmem_shared>> -> memref<1000x128xf32, #tpu.memory_space<vmem_shared>>
    tpu.enqueue_indirect_dma source(%dma_start3A_762 : memref<1000x128xf32, #tpu.memory_space<vmem_shared>>) target(%dma_start3A_756 : memref<64x128xf32, #tpu.memory_space<vmem>>) offsets(%dma_start3A_759 : memref<64xi32, #tpu.memory_space<vmem>>) semaphore(%arg14 : memref<!tpu.dma_semaphore, #tpu.memory_space<semaphore_mem>>)
    %dma_start3A_763 = arith.constant 6 : i32
    %dma_start3A_764 = arith.constant 384 : i32
    %dma_start3A_765 = arith.constant 0 : i32
    %dma_start3A_766 = tpu.memref_slice %arg7[%dma_start3A_764, %dma_start3A_765] : memref<512x128xf32, #tpu.memory_space<vmem>> -> memref<64x128xf32, #tpu.memory_space<vmem>>
    %dma_start3A_767 = arith.constant 0 : i32
    %dma_start3A_768 = tpu.memref_slice %arg6[%dma_start3A_763, %dma_start3A_767] : memref<8x64xi32, #tpu.memory_space<vmem>> -> memref<1x64xi32, #tpu.memory_space<vmem>>
    %dma_start3A_769 = tpu.memref_squeeze %dma_start3A_768 : memref<1x64xi32, #tpu.memory_space<vmem>> -> memref<64xi32, #tpu.memory_space<vmem>>
    %dma_start3A_770 = arith.constant 0 : i32
    %dma_start3A_771 = arith.constant 0 : i32
    %dma_start3A_772 = tpu.memref_slice %arg8[%dma_start3A_770, %dma_start3A_771] : memref<1000x128xf32, #tpu.memory_space<vmem_shared>> -> memref<1000x128xf32, #tpu.memory_space<vmem_shared>>
    tpu.enqueue_indirect_dma source(%dma_start3A_772 : memref<1000x128xf32, #tpu.memory_space<vmem_shared>>) target(%dma_start3A_766 : memref<64x128xf32, #tpu.memory_space<vmem>>) offsets(%dma_start3A_769 : memref<64xi32, #tpu.memory_space<vmem>>) semaphore(%arg15 : memref<!tpu.dma_semaphore, #tpu.memory_space<semaphore_mem>>)
    %dma_start3A_773 = arith.constant 7 : i32
    %dma_start3A_774 = arith.constant 448 : i32
    %dma_start3A_775 = arith.constant 0 : i32
    %dma_start3A_776 = tpu.memref_slice %arg7[%dma_start3A_774, %dma_start3A_775] : memref<512x128xf32, #tpu.memory_space<vmem>> -> memref<64x128xf32, #tpu.memory_space<vmem>>
    %dma_start3A_777 = arith.constant 0 : i32
    %dma_start3A_778 = tpu.memref_slice %arg6[%dma_start3A_773, %dma_start3A_777] : memref<8x64xi32, #tpu.memory_space<vmem>> -> memref<1x64xi32, #tpu.memory_space<vmem>>
    %dma_start3A_779 = tpu.memref_squeeze %dma_start3A_778 : memref<1x64xi32, #tpu.memory_space<vmem>> -> memref<64xi32, #tpu.memory_space<vmem>>
    %dma_start3A_780 = arith.constant 0 : i32
    %dma_start3A_781 = arith.constant 0 : i32
    %dma_start3A_782 = tpu.memref_slice %arg8[%dma_start3A_780, %dma_start3A_781] : memref<1000x128xf32, #tpu.memory_space<vmem_shared>> -> memref<1000x128xf32, #tpu.memory_space<vmem_shared>>
    tpu.enqueue_indirect_dma source(%dma_start3A_782 : memref<1000x128xf32, #tpu.memory_space<vmem_shared>>) target(%dma_start3A_776 : memref<64x128xf32, #tpu.memory_space<vmem>>) offsets(%dma_start3A_779 : memref<64xi32, #tpu.memory_space<vmem>>) semaphore(%arg16 : memref<!tpu.dma_semaphore, #tpu.memory_space<semaphore_mem>>)
    %dma_wait3A = arith.constant 0 : i32
    %dma_wait3A_783 = arith.constant 0 : i32
    %dma_wait3A_784 = arith.constant 0 : i32
    %dma_wait3A_785 = tpu.memref_slice %arg7[%dma_wait3A_783, %dma_wait3A_784] : memref<512x128xf32, #tpu.memory_space<vmem>> -> memref<64x128xf32, #tpu.memory_space<vmem>>
    %dma_wait3A_786 = arith.constant 0 : i32
    %dma_wait3A_787 = tpu.memref_slice %arg6[%dma_wait3A, %dma_wait3A_786] : memref<8x64xi32, #tpu.memory_space<vmem>> -> memref<1x64xi32, #tpu.memory_space<vmem>>
    %dma_wait3A_788 = tpu.memref_squeeze %dma_wait3A_787 : memref<1x64xi32, #tpu.memory_space<vmem>> -> memref<64xi32, #tpu.memory_space<vmem>>
    %dma_wait3A_789 = arith.constant 0 : i32
    %dma_wait3A_790 = arith.constant 0 : i32
    %dma_wait3A_791 = tpu.memref_slice %arg8[%dma_wait3A_789, %dma_wait3A_790] : memref<1000x128xf32, #tpu.memory_space<vmem_shared>> -> memref<1000x128xf32, #tpu.memory_space<vmem_shared>>
    tpu.wait_indirect_dma semaphore(%arg9 : memref<!tpu.dma_semaphore, #tpu.memory_space<semaphore_mem>>) src(%dma_wait3A_791 : memref<1000x128xf32, #tpu.memory_space<vmem_shared>>) dst(%dma_wait3A_785 : memref<64x128xf32, #tpu.memory_space<vmem>>)
    %add3A_792 = arith.constant 0 : i32
    %add3A_793 = arith.addi %mul3A_2, %add3A_792 : i32
    "tpu.region"() ({
      %run_scoped3A = tpu.sem_alloc : memref<!tpu.dma_semaphore, #tpu.memory_space<semaphore_mem>>
      %dma_start3A_878 = arith.constant 0 : i32
      %dma_start3A_879 = arith.constant 0 : i32
      %dma_start3A_880 = tpu.memref_slice %arg7[%dma_start3A_878, %dma_start3A_879] : memref<512x128xf32, #tpu.memory_space<vmem>> -> memref<64x128xf32, #tpu.memory_space<vmem>>
      %dma_start3A_881 = arith.constant 0 : i32
      %dma_start3A_882 = tpu.memref_slice %arg4[%add3A_793, %dma_start3A_881] : memref<16384x128xf32, #tpu.memory_space<hbm>> -> memref<64x128xf32, #tpu.memory_space<hbm>>
      %dma_start3A_883 = arith.constant 0 : i32
      %dma_start3A_884 = tpu.memref_slice %arg4[%add3A_793, %dma_start3A_883] : memref<16384x128xf32, #tpu.memory_space<hbm>> -> memref<64x128xf32, #tpu.memory_space<hbm>>
      %dma_start3A_885 = arith.constant 0 : i32
      %dma_start3A_886 = arith.constant 0 : i32
      %dma_start3A_887 = tpu.memref_slice %arg7[%dma_start3A_885, %dma_start3A_886] : memref<512x128xf32, #tpu.memory_space<vmem>> -> memref<64x128xf32, #tpu.memory_space<vmem>>
      tpu.enqueue_dma source(%dma_start3A_887 : memref<64x128xf32, #tpu.memory_space<vmem>>) target(%dma_start3A_884 : memref<64x128xf32, #tpu.memory_space<hbm>>) target_semaphore(%run_scoped3A : memref<!tpu.dma_semaphore, #tpu.memory_space<semaphore_mem>>)
      %dma_wait3A_888 = arith.constant 0 : i32
      %dma_wait3A_889 = arith.constant 0 : i32
      %dma_wait3A_890 = tpu.memref_slice %arg7[%dma_wait3A_888, %dma_wait3A_889] : memref<512x128xf32, #tpu.memory_space<vmem>> -> memref<64x128xf32, #tpu.memory_space<vmem>>
      %dma_wait3A_891 = arith.constant 0 : i32
      %dma_wait3A_892 = tpu.memref_slice %arg4[%add3A_793, %dma_wait3A_891] : memref<16384x128xf32, #tpu.memory_space<hbm>> -> memref<64x128xf32, #tpu.memory_space<hbm>>
      %dma_wait3A_893 = arith.constant 0 : i32
      %dma_wait3A_894 = tpu.memref_slice %arg4[%add3A_793, %dma_wait3A_893] : memref<16384x128xf32, #tpu.memory_space<hbm>> -> memref<64x128xf32, #tpu.memory_space<hbm>>
      %dma_wait3A_895 = arith.constant 0 : i32
      %dma_wait3A_896 = arith.constant 0 : i32
      %dma_wait3A_897 = tpu.memref_slice %arg7[%dma_wait3A_895, %dma_wait3A_896] : memref<512x128xf32, #tpu.memory_space<vmem>> -> memref<64x128xf32, #tpu.memory_space<vmem>>
      tpu.wait_dma2 semaphore(%run_scoped3A : memref<!tpu.dma_semaphore, #tpu.memory_space<semaphore_mem>>) src(%dma_wait3A_897 : memref<64x128xf32, #tpu.memory_space<vmem>>) dst(%dma_wait3A_894 : memref<64x128xf32, #tpu.memory_space<hbm>>)
      tpu.yield
    }) : () -> ()
    %dma_wait3A_794 = arith.constant 1 : i32
    %dma_wait3A_795 = arith.constant 64 : i32
    %dma_wait3A_796 = arith.constant 0 : i32
    %dma_wait3A_797 = tpu.memref_slice %arg7[%dma_wait3A_795, %dma_wait3A_796] : memref<512x128xf32, #tpu.memory_space<vmem>> -> memref<64x128xf32, #tpu.memory_space<vmem>>
    %dma_wait3A_798 = arith.constant 0 : i32
    %dma_wait3A_799 = tpu.memref_slice %arg6[%dma_wait3A_794, %dma_wait3A_798] : memref<8x64xi32, #tpu.memory_space<vmem>> -> memref<1x64xi32, #tpu.memory_space<vmem>>
    %dma_wait3A_800 = tpu.memref_squeeze %dma_wait3A_799 : memref<1x64xi32, #tpu.memory_space<vmem>> -> memref<64xi32, #tpu.memory_space<vmem>>
    %dma_wait3A_801 = arith.constant 0 : i32
    %dma_wait3A_802 = arith.constant 0 : i32
    %dma_wait3A_803 = tpu.memref_slice %arg8[%dma_wait3A_801, %dma_wait3A_802] : memref<1000x128xf32, #tpu.memory_space<vmem_shared>> -> memref<1000x128xf32, #tpu.memory_space<vmem_shared>>
    tpu.wait_indirect_dma semaphore(%arg10 : memref<!tpu.dma_semaphore, #tpu.memory_space<semaphore_mem>>) src(%dma_wait3A_803 : memref<1000x128xf32, #tpu.memory_space<vmem_shared>>) dst(%dma_wait3A_797 : memref<64x128xf32, #tpu.memory_space<vmem>>)
    %add3A_804 = arith.constant 64 : i32
    %add3A_805 = arith.addi %mul3A_2, %add3A_804 : i32
    "tpu.region"() ({
      %run_scoped3A = tpu.sem_alloc : memref<!tpu.dma_semaphore, #tpu.memory_space<semaphore_mem>>
      %dma_start3A_878 = arith.constant 64 : i32
      %dma_start3A_879 = arith.constant 0 : i32
      %dma_start3A_880 = tpu.memref_slice %arg7[%dma_start3A_878, %dma_start3A_879] : memref<512x128xf32, #tpu.memory_space<vmem>> -> memref<64x128xf32, #tpu.memory_space<vmem>>
      %dma_start3A_881 = arith.constant 0 : i32
      %dma_start3A_882 = tpu.memref_slice %arg4[%add3A_805, %dma_start3A_881] : memref<16384x128xf32, #tpu.memory_space<hbm>> -> memref<64x128xf32, #tpu.memory_space<hbm>>
      %dma_start3A_883 = arith.constant 0 : i32
      %dma_start3A_884 = tpu.memref_slice %arg4[%add3A_805, %dma_start3A_883] : memref<16384x128xf32, #tpu.memory_space<hbm>> -> memref<64x128xf32, #tpu.memory_space<hbm>>
      %dma_start3A_885 = arith.constant 64 : i32
      %dma_start3A_886 = arith.constant 0 : i32
      %dma_start3A_887 = tpu.memref_slice %arg7[%dma_start3A_885, %dma_start3A_886] : memref<512x128xf32, #tpu.memory_space<vmem>> -> memref<64x128xf32, #tpu.memory_space<vmem>>
      tpu.enqueue_dma source(%dma_start3A_887 : memref<64x128xf32, #tpu.memory_space<vmem>>) target(%dma_start3A_884 : memref<64x128xf32, #tpu.memory_space<hbm>>) target_semaphore(%run_scoped3A : memref<!tpu.dma_semaphore, #tpu.memory_space<semaphore_mem>>)
      %dma_wait3A_888 = arith.constant 64 : i32
      %dma_wait3A_889 = arith.constant 0 : i32
      %dma_wait3A_890 = tpu.memref_slice %arg7[%dma_wait3A_888, %dma_wait3A_889] : memref<512x128xf32, #tpu.memory_space<vmem>> -> memref<64x128xf32, #tpu.memory_space<vmem>>
      %dma_wait3A_891 = arith.constant 0 : i32
      %dma_wait3A_892 = tpu.memref_slice %arg4[%add3A_805, %dma_wait3A_891] : memref<16384x128xf32, #tpu.memory_space<hbm>> -> memref<64x128xf32, #tpu.memory_space<hbm>>
      %dma_wait3A_893 = arith.constant 0 : i32
      %dma_wait3A_894 = tpu.memref_slice %arg4[%add3A_805, %dma_wait3A_893] : memref<16384x128xf32, #tpu.memory_space<hbm>> -> memref<64x128xf32, #tpu.memory_space<hbm>>
      %dma_wait3A_895 = arith.constant 64 : i32
      %dma_wait3A_896 = arith.constant 0 : i32
      %dma_wait3A_897 = tpu.memref_slice %arg7[%dma_wait3A_895, %dma_wait3A_896] : memref<512x128xf32, #tpu.memory_space<vmem>> -> memref<64x128xf32, #tpu.memory_space<vmem>>
      tpu.wait_dma2 semaphore(%run_scoped3A : memref<!tpu.dma_semaphore, #tpu.memory_space<semaphore_mem>>) src(%dma_wait3A_897 : memref<64x128xf32, #tpu.memory_space<vmem>>) dst(%dma_wait3A_894 : memref<64x128xf32, #tpu.memory_space<hbm>>)
      tpu.yield
    }) : () -> ()
    %dma_wait3A_806 = arith.constant 2 : i32
    %dma_wait3A_807 = arith.constant 128 : i32
    %dma_wait3A_808 = arith.constant 0 : i32
    %dma_wait3A_809 = tpu.memref_slice %arg7[%dma_wait3A_807, %dma_wait3A_808] : memref<512x128xf32, #tpu.memory_space<vmem>> -> memref<64x128xf32, #tpu.memory_space<vmem>>
    %dma_wait3A_810 = arith.constant 0 : i32
    %dma_wait3A_811 = tpu.memref_slice %arg6[%dma_wait3A_806, %dma_wait3A_810] : memref<8x64xi32, #tpu.memory_space<vmem>> -> memref<1x64xi32, #tpu.memory_space<vmem>>
    %dma_wait3A_812 = tpu.memref_squeeze %dma_wait3A_811 : memref<1x64xi32, #tpu.memory_space<vmem>> -> memref<64xi32, #tpu.memory_space<vmem>>
    %dma_wait3A_813 = arith.constant 0 : i32
    %dma_wait3A_814 = arith.constant 0 : i32
    %dma_wait3A_815 = tpu.memref_slice %arg8[%dma_wait3A_813, %dma_wait3A_814] : memref<1000x128xf32, #tpu.memory_space<vmem_shared>> -> memref<1000x128xf32, #tpu.memory_space<vmem_shared>>
    tpu.wait_indirect_dma semaphore(%arg11 : memref<!tpu.dma_semaphore, #tpu.memory_space<semaphore_mem>>) src(%dma_wait3A_815 : memref<1000x128xf32, #tpu.memory_space<vmem_shared>>) dst(%dma_wait3A_809 : memref<64x128xf32, #tpu.memory_space<vmem>>)
    %add3A_816 = arith.constant 128 : i32
    %add3A_817 = arith.addi %mul3A_2, %add3A_816 : i32
    "tpu.region"() ({
      %run_scoped3A = tpu.sem_alloc : memref<!tpu.dma_semaphore, #tpu.memory_space<semaphore_mem>>
      %dma_start3A_878 = arith.constant 128 : i32
      %dma_start3A_879 = arith.constant 0 : i32
      %dma_start3A_880 = tpu.memref_slice %arg7[%dma_start3A_878, %dma_start3A_879] : memref<512x128xf32, #tpu.memory_space<vmem>> -> memref<64x128xf32, #tpu.memory_space<vmem>>
      %dma_start3A_881 = arith.constant 0 : i32
      %dma_start3A_882 = tpu.memref_slice %arg4[%add3A_817, %dma_start3A_881] : memref<16384x128xf32, #tpu.memory_space<hbm>> -> memref<64x128xf32, #tpu.memory_space<hbm>>
      %dma_start3A_883 = arith.constant 0 : i32
      %dma_start3A_884 = tpu.memref_slice %arg4[%add3A_817, %dma_start3A_883] : memref<16384x128xf32, #tpu.memory_space<hbm>> -> memref<64x128xf32, #tpu.memory_space<hbm>>
      %dma_start3A_885 = arith.constant 128 : i32
      %dma_start3A_886 = arith.constant 0 : i32
      %dma_start3A_887 = tpu.memref_slice %arg7[%dma_start3A_885, %dma_start3A_886] : memref<512x128xf32, #tpu.memory_space<vmem>> -> memref<64x128xf32, #tpu.memory_space<vmem>>
      tpu.enqueue_dma source(%dma_start3A_887 : memref<64x128xf32, #tpu.memory_space<vmem>>) target(%dma_start3A_884 : memref<64x128xf32, #tpu.memory_space<hbm>>) target_semaphore(%run_scoped3A : memref<!tpu.dma_semaphore, #tpu.memory_space<semaphore_mem>>)
      %dma_wait3A_888 = arith.constant 128 : i32
      %dma_wait3A_889 = arith.constant 0 : i32
      %dma_wait3A_890 = tpu.memref_slice %arg7[%dma_wait3A_888, %dma_wait3A_889] : memref<512x128xf32, #tpu.memory_space<vmem>> -> memref<64x128xf32, #tpu.memory_space<vmem>>
      %dma_wait3A_891 = arith.constant 0 : i32
      %dma_wait3A_892 = tpu.memref_slice %arg4[%add3A_817, %dma_wait3A_891] : memref<16384x128xf32, #tpu.memory_space<hbm>> -> memref<64x128xf32, #tpu.memory_space<hbm>>
      %dma_wait3A_893 = arith.constant 0 : i32
      %dma_wait3A_894 = tpu.memref_slice %arg4[%add3A_817, %dma_wait3A_893] : memref<16384x128xf32, #tpu.memory_space<hbm>> -> memref<64x128xf32, #tpu.memory_space<hbm>>
      %dma_wait3A_895 = arith.constant 128 : i32
      %dma_wait3A_896 = arith.constant 0 : i32
      %dma_wait3A_897 = tpu.memref_slice %arg7[%dma_wait3A_895, %dma_wait3A_896] : memref<512x128xf32, #tpu.memory_space<vmem>> -> memref<64x128xf32, #tpu.memory_space<vmem>>
      tpu.wait_dma2 semaphore(%run_scoped3A : memref<!tpu.dma_semaphore, #tpu.memory_space<semaphore_mem>>) src(%dma_wait3A_897 : memref<64x128xf32, #tpu.memory_space<vmem>>) dst(%dma_wait3A_894 : memref<64x128xf32, #tpu.memory_space<hbm>>)
      tpu.yield
    }) : () -> ()
    %dma_wait3A_818 = arith.constant 3 : i32
    %dma_wait3A_819 = arith.constant 192 : i32
    %dma_wait3A_820 = arith.constant 0 : i32
    %dma_wait3A_821 = tpu.memref_slice %arg7[%dma_wait3A_819, %dma_wait3A_820] : memref<512x128xf32, #tpu.memory_space<vmem>> -> memref<64x128xf32, #tpu.memory_space<vmem>>
    %dma_wait3A_822 = arith.constant 0 : i32
    %dma_wait3A_823 = tpu.memref_slice %arg6[%dma_wait3A_818, %dma_wait3A_822] : memref<8x64xi32, #tpu.memory_space<vmem>> -> memref<1x64xi32, #tpu.memory_space<vmem>>
    %dma_wait3A_824 = tpu.memref_squeeze %dma_wait3A_823 : memref<1x64xi32, #tpu.memory_space<vmem>> -> memref<64xi32, #tpu.memory_space<vmem>>
    %dma_wait3A_825 = arith.constant 0 : i32
    %dma_wait3A_826 = arith.constant 0 : i32
    %dma_wait3A_827 = tpu.memref_slice %arg8[%dma_wait3A_825, %dma_wait3A_826] : memref<1000x128xf32, #tpu.memory_space<vmem_shared>> -> memref<1000x128xf32, #tpu.memory_space<vmem_shared>>
    tpu.wait_indirect_dma semaphore(%arg12 : memref<!tpu.dma_semaphore, #tpu.memory_space<semaphore_mem>>) src(%dma_wait3A_827 : memref<1000x128xf32, #tpu.memory_space<vmem_shared>>) dst(%dma_wait3A_821 : memref<64x128xf32, #tpu.memory_space<vmem>>)
    %add3A_828 = arith.constant 192 : i32
    %add3A_829 = arith.addi %mul3A_2, %add3A_828 : i32
    "tpu.region"() ({
      %run_scoped3A = tpu.sem_alloc : memref<!tpu.dma_semaphore, #tpu.memory_space<semaphore_mem>>
      %dma_start3A_878 = arith.constant 192 : i32
      %dma_start3A_879 = arith.constant 0 : i32
      %dma_start3A_880 = tpu.memref_slice %arg7[%dma_start3A_878, %dma_start3A_879] : memref<512x128xf32, #tpu.memory_space<vmem>> -> memref<64x128xf32, #tpu.memory_space<vmem>>
      %dma_start3A_881 = arith.constant 0 : i32
      %dma_start3A_882 = tpu.memref_slice %arg4[%add3A_829, %dma_start3A_881] : memref<16384x128xf32, #tpu.memory_space<hbm>> -> memref<64x128xf32, #tpu.memory_space<hbm>>
      %dma_start3A_883 = arith.constant 0 : i32
      %dma_start3A_884 = tpu.memref_slice %arg4[%add3A_829, %dma_start3A_883] : memref<16384x128xf32, #tpu.memory_space<hbm>> -> memref<64x128xf32, #tpu.memory_space<hbm>>
      %dma_start3A_885 = arith.constant 192 : i32
      %dma_start3A_886 = arith.constant 0 : i32
      %dma_start3A_887 = tpu.memref_slice %arg7[%dma_start3A_885, %dma_start3A_886] : memref<512x128xf32, #tpu.memory_space<vmem>> -> memref<64x128xf32, #tpu.memory_space<vmem>>
      tpu.enqueue_dma source(%dma_start3A_887 : memref<64x128xf32, #tpu.memory_space<vmem>>) target(%dma_start3A_884 : memref<64x128xf32, #tpu.memory_space<hbm>>) target_semaphore(%run_scoped3A : memref<!tpu.dma_semaphore, #tpu.memory_space<semaphore_mem>>)
      %dma_wait3A_888 = arith.constant 192 : i32
      %dma_wait3A_889 = arith.constant 0 : i32
      %dma_wait3A_890 = tpu.memref_slice %arg7[%dma_wait3A_888, %dma_wait3A_889] : memref<512x128xf32, #tpu.memory_space<vmem>> -> memref<64x128xf32, #tpu.memory_space<vmem>>
      %dma_wait3A_891 = arith.constant 0 : i32
      %dma_wait3A_892 = tpu.memref_slice %arg4[%add3A_829, %dma_wait3A_891] : memref<16384x128xf32, #tpu.memory_space<hbm>> -> memref<64x128xf32, #tpu.memory_space<hbm>>
      %dma_wait3A_893 = arith.constant 0 : i32
      %dma_wait3A_894 = tpu.memref_slice %arg4[%add3A_829, %dma_wait3A_893] : memref<16384x128xf32, #tpu.memory_space<hbm>> -> memref<64x128xf32, #tpu.memory_space<hbm>>
      %dma_wait3A_895 = arith.constant 192 : i32
      %dma_wait3A_896 = arith.constant 0 : i32
      %dma_wait3A_897 = tpu.memref_slice %arg7[%dma_wait3A_895, %dma_wait3A_896] : memref<512x128xf32, #tpu.memory_space<vmem>> -> memref<64x128xf32, #tpu.memory_space<vmem>>
      tpu.wait_dma2 semaphore(%run_scoped3A : memref<!tpu.dma_semaphore, #tpu.memory_space<semaphore_mem>>) src(%dma_wait3A_897 : memref<64x128xf32, #tpu.memory_space<vmem>>) dst(%dma_wait3A_894 : memref<64x128xf32, #tpu.memory_space<hbm>>)
      tpu.yield
    }) : () -> ()
    %dma_wait3A_830 = arith.constant 4 : i32
    %dma_wait3A_831 = arith.constant 256 : i32
    %dma_wait3A_832 = arith.constant 0 : i32
    %dma_wait3A_833 = tpu.memref_slice %arg7[%dma_wait3A_831, %dma_wait3A_832] : memref<512x128xf32, #tpu.memory_space<vmem>> -> memref<64x128xf32, #tpu.memory_space<vmem>>
    %dma_wait3A_834 = arith.constant 0 : i32
    %dma_wait3A_835 = tpu.memref_slice %arg6[%dma_wait3A_830, %dma_wait3A_834] : memref<8x64xi32, #tpu.memory_space<vmem>> -> memref<1x64xi32, #tpu.memory_space<vmem>>
    %dma_wait3A_836 = tpu.memref_squeeze %dma_wait3A_835 : memref<1x64xi32, #tpu.memory_space<vmem>> -> memref<64xi32, #tpu.memory_space<vmem>>
    %dma_wait3A_837 = arith.constant 0 : i32
    %dma_wait3A_838 = arith.constant 0 : i32
    %dma_wait3A_839 = tpu.memref_slice %arg8[%dma_wait3A_837, %dma_wait3A_838] : memref<1000x128xf32, #tpu.memory_space<vmem_shared>> -> memref<1000x128xf32, #tpu.memory_space<vmem_shared>>
    tpu.wait_indirect_dma semaphore(%arg13 : memref<!tpu.dma_semaphore, #tpu.memory_space<semaphore_mem>>) src(%dma_wait3A_839 : memref<1000x128xf32, #tpu.memory_space<vmem_shared>>) dst(%dma_wait3A_833 : memref<64x128xf32, #tpu.memory_space<vmem>>)
    %add3A_840 = arith.constant 256 : i32
    %add3A_841 = arith.addi %mul3A_2, %add3A_840 : i32
    "tpu.region"() ({
      %run_scoped3A = tpu.sem_alloc : memref<!tpu.dma_semaphore, #tpu.memory_space<semaphore_mem>>
      %dma_start3A_878 = arith.constant 256 : i32
      %dma_start3A_879 = arith.constant 0 : i32
      %dma_start3A_880 = tpu.memref_slice %arg7[%dma_start3A_878, %dma_start3A_879] : memref<512x128xf32, #tpu.memory_space<vmem>> -> memref<64x128xf32, #tpu.memory_space<vmem>>
      %dma_start3A_881 = arith.constant 0 : i32
      %dma_start3A_882 = tpu.memref_slice %arg4[%add3A_841, %dma_start3A_881] : memref<16384x128xf32, #tpu.memory_space<hbm>> -> memref<64x128xf32, #tpu.memory_space<hbm>>
      %dma_start3A_883 = arith.constant 0 : i32
      %dma_start3A_884 = tpu.memref_slice %arg4[%add3A_841, %dma_start3A_883] : memref<16384x128xf32, #tpu.memory_space<hbm>> -> memref<64x128xf32, #tpu.memory_space<hbm>>
      %dma_start3A_885 = arith.constant 256 : i32
      %dma_start3A_886 = arith.constant 0 : i32
      %dma_start3A_887 = tpu.memref_slice %arg7[%dma_start3A_885, %dma_start3A_886] : memref<512x128xf32, #tpu.memory_space<vmem>> -> memref<64x128xf32, #tpu.memory_space<vmem>>
      tpu.enqueue_dma source(%dma_start3A_887 : memref<64x128xf32, #tpu.memory_space<vmem>>) target(%dma_start3A_884 : memref<64x128xf32, #tpu.memory_space<hbm>>) target_semaphore(%run_scoped3A : memref<!tpu.dma_semaphore, #tpu.memory_space<semaphore_mem>>)
      %dma_wait3A_888 = arith.constant 256 : i32
      %dma_wait3A_889 = arith.constant 0 : i32
      %dma_wait3A_890 = tpu.memref_slice %arg7[%dma_wait3A_888, %dma_wait3A_889] : memref<512x128xf32, #tpu.memory_space<vmem>> -> memref<64x128xf32, #tpu.memory_space<vmem>>
      %dma_wait3A_891 = arith.constant 0 : i32
      %dma_wait3A_892 = tpu.memref_slice %arg4[%add3A_841, %dma_wait3A_891] : memref<16384x128xf32, #tpu.memory_space<hbm>> -> memref<64x128xf32, #tpu.memory_space<hbm>>
      %dma_wait3A_893 = arith.constant 0 : i32
      %dma_wait3A_894 = tpu.memref_slice %arg4[%add3A_841, %dma_wait3A_893] : memref<16384x128xf32, #tpu.memory_space<hbm>> -> memref<64x128xf32, #tpu.memory_space<hbm>>
      %dma_wait3A_895 = arith.constant 256 : i32
      %dma_wait3A_896 = arith.constant 0 : i32
      %dma_wait3A_897 = tpu.memref_slice %arg7[%dma_wait3A_895, %dma_wait3A_896] : memref<512x128xf32, #tpu.memory_space<vmem>> -> memref<64x128xf32, #tpu.memory_space<vmem>>
      tpu.wait_dma2 semaphore(%run_scoped3A : memref<!tpu.dma_semaphore, #tpu.memory_space<semaphore_mem>>) src(%dma_wait3A_897 : memref<64x128xf32, #tpu.memory_space<vmem>>) dst(%dma_wait3A_894 : memref<64x128xf32, #tpu.memory_space<hbm>>)
      tpu.yield
    }) : () -> ()
    %dma_wait3A_842 = arith.constant 5 : i32
    %dma_wait3A_843 = arith.constant 320 : i32
    %dma_wait3A_844 = arith.constant 0 : i32
    %dma_wait3A_845 = tpu.memref_slice %arg7[%dma_wait3A_843, %dma_wait3A_844] : memref<512x128xf32, #tpu.memory_space<vmem>> -> memref<64x128xf32, #tpu.memory_space<vmem>>
    %dma_wait3A_846 = arith.constant 0 : i32
    %dma_wait3A_847 = tpu.memref_slice %arg6[%dma_wait3A_842, %dma_wait3A_846] : memref<8x64xi32, #tpu.memory_space<vmem>> -> memref<1x64xi32, #tpu.memory_space<vmem>>
    %dma_wait3A_848 = tpu.memref_squeeze %dma_wait3A_847 : memref<1x64xi32, #tpu.memory_space<vmem>> -> memref<64xi32, #tpu.memory_space<vmem>>
    %dma_wait3A_849 = arith.constant 0 : i32
    %dma_wait3A_850 = arith.constant 0 : i32
    %dma_wait3A_851 = tpu.memref_slice %arg8[%dma_wait3A_849, %dma_wait3A_850] : memref<1000x128xf32, #tpu.memory_space<vmem_shared>> -> memref<1000x128xf32, #tpu.memory_space<vmem_shared>>
    tpu.wait_indirect_dma semaphore(%arg14 : memref<!tpu.dma_semaphore, #tpu.memory_space<semaphore_mem>>) src(%dma_wait3A_851 : memref<1000x128xf32, #tpu.memory_space<vmem_shared>>) dst(%dma_wait3A_845 : memref<64x128xf32, #tpu.memory_space<vmem>>)
    %add3A_852 = arith.constant 320 : i32
    %add3A_853 = arith.addi %mul3A_2, %add3A_852 : i32
    "tpu.region"() ({
      %run_scoped3A = tpu.sem_alloc : memref<!tpu.dma_semaphore, #tpu.memory_space<semaphore_mem>>
      %dma_start3A_878 = arith.constant 320 : i32
      %dma_start3A_879 = arith.constant 0 : i32
      %dma_start3A_880 = tpu.memref_slice %arg7[%dma_start3A_878, %dma_start3A_879] : memref<512x128xf32, #tpu.memory_space<vmem>> -> memref<64x128xf32, #tpu.memory_space<vmem>>
      %dma_start3A_881 = arith.constant 0 : i32
      %dma_start3A_882 = tpu.memref_slice %arg4[%add3A_853, %dma_start3A_881] : memref<16384x128xf32, #tpu.memory_space<hbm>> -> memref<64x128xf32, #tpu.memory_space<hbm>>
      %dma_start3A_883 = arith.constant 0 : i32
      %dma_start3A_884 = tpu.memref_slice %arg4[%add3A_853, %dma_start3A_883] : memref<16384x128xf32, #tpu.memory_space<hbm>> -> memref<64x128xf32, #tpu.memory_space<hbm>>
      %dma_start3A_885 = arith.constant 320 : i32
      %dma_start3A_886 = arith.constant 0 : i32
      %dma_start3A_887 = tpu.memref_slice %arg7[%dma_start3A_885, %dma_start3A_886] : memref<512x128xf32, #tpu.memory_space<vmem>> -> memref<64x128xf32, #tpu.memory_space<vmem>>
      tpu.enqueue_dma source(%dma_start3A_887 : memref<64x128xf32, #tpu.memory_space<vmem>>) target(%dma_start3A_884 : memref<64x128xf32, #tpu.memory_space<hbm>>) target_semaphore(%run_scoped3A : memref<!tpu.dma_semaphore, #tpu.memory_space<semaphore_mem>>)
      %dma_wait3A_888 = arith.constant 320 : i32
      %dma_wait3A_889 = arith.constant 0 : i32
      %dma_wait3A_890 = tpu.memref_slice %arg7[%dma_wait3A_888, %dma_wait3A_889] : memref<512x128xf32, #tpu.memory_space<vmem>> -> memref<64x128xf32, #tpu.memory_space<vmem>>
      %dma_wait3A_891 = arith.constant 0 : i32
      %dma_wait3A_892 = tpu.memref_slice %arg4[%add3A_853, %dma_wait3A_891] : memref<16384x128xf32, #tpu.memory_space<hbm>> -> memref<64x128xf32, #tpu.memory_space<hbm>>
      %dma_wait3A_893 = arith.constant 0 : i32
      %dma_wait3A_894 = tpu.memref_slice %arg4[%add3A_853, %dma_wait3A_893] : memref<16384x128xf32, #tpu.memory_space<hbm>> -> memref<64x128xf32, #tpu.memory_space<hbm>>
      %dma_wait3A_895 = arith.constant 320 : i32
      %dma_wait3A_896 = arith.constant 0 : i32
      %dma_wait3A_897 = tpu.memref_slice %arg7[%dma_wait3A_895, %dma_wait3A_896] : memref<512x128xf32, #tpu.memory_space<vmem>> -> memref<64x128xf32, #tpu.memory_space<vmem>>
      tpu.wait_dma2 semaphore(%run_scoped3A : memref<!tpu.dma_semaphore, #tpu.memory_space<semaphore_mem>>) src(%dma_wait3A_897 : memref<64x128xf32, #tpu.memory_space<vmem>>) dst(%dma_wait3A_894 : memref<64x128xf32, #tpu.memory_space<hbm>>)
      tpu.yield
    }) : () -> ()
    %dma_wait3A_854 = arith.constant 6 : i32
    %dma_wait3A_855 = arith.constant 384 : i32
    %dma_wait3A_856 = arith.constant 0 : i32
    %dma_wait3A_857 = tpu.memref_slice %arg7[%dma_wait3A_855, %dma_wait3A_856] : memref<512x128xf32, #tpu.memory_space<vmem>> -> memref<64x128xf32, #tpu.memory_space<vmem>>
    %dma_wait3A_858 = arith.constant 0 : i32
    %dma_wait3A_859 = tpu.memref_slice %arg6[%dma_wait3A_854, %dma_wait3A_858] : memref<8x64xi32, #tpu.memory_space<vmem>> -> memref<1x64xi32, #tpu.memory_space<vmem>>
    %dma_wait3A_860 = tpu.memref_squeeze %dma_wait3A_859 : memref<1x64xi32, #tpu.memory_space<vmem>> -> memref<64xi32, #tpu.memory_space<vmem>>
    %dma_wait3A_861 = arith.constant 0 : i32
    %dma_wait3A_862 = arith.constant 0 : i32
    %dma_wait3A_863 = tpu.memref_slice %arg8[%dma_wait3A_861, %dma_wait3A_862] : memref<1000x128xf32, #tpu.memory_space<vmem_shared>> -> memref<1000x128xf32, #tpu.memory_space<vmem_shared>>
    tpu.wait_indirect_dma semaphore(%arg15 : memref<!tpu.dma_semaphore, #tpu.memory_space<semaphore_mem>>) src(%dma_wait3A_863 : memref<1000x128xf32, #tpu.memory_space<vmem_shared>>) dst(%dma_wait3A_857 : memref<64x128xf32, #tpu.memory_space<vmem>>)
    %add3A_864 = arith.constant 384 : i32
    %add3A_865 = arith.addi %mul3A_2, %add3A_864 : i32
    "tpu.region"() ({
      %run_scoped3A = tpu.sem_alloc : memref<!tpu.dma_semaphore, #tpu.memory_space<semaphore_mem>>
      %dma_start3A_878 = arith.constant 384 : i32
      %dma_start3A_879 = arith.constant 0 : i32
      %dma_start3A_880 = tpu.memref_slice %arg7[%dma_start3A_878, %dma_start3A_879] : memref<512x128xf32, #tpu.memory_space<vmem>> -> memref<64x128xf32, #tpu.memory_space<vmem>>
      %dma_start3A_881 = arith.constant 0 : i32
      %dma_start3A_882 = tpu.memref_slice %arg4[%add3A_865, %dma_start3A_881] : memref<16384x128xf32, #tpu.memory_space<hbm>> -> memref<64x128xf32, #tpu.memory_space<hbm>>
      %dma_start3A_883 = arith.constant 0 : i32
      %dma_start3A_884 = tpu.memref_slice %arg4[%add3A_865, %dma_start3A_883] : memref<16384x128xf32, #tpu.memory_space<hbm>> -> memref<64x128xf32, #tpu.memory_space<hbm>>
      %dma_start3A_885 = arith.constant 384 : i32
      %dma_start3A_886 = arith.constant 0 : i32
      %dma_start3A_887 = tpu.memref_slice %arg7[%dma_start3A_885, %dma_start3A_886] : memref<512x128xf32, #tpu.memory_space<vmem>> -> memref<64x128xf32, #tpu.memory_space<vmem>>
      tpu.enqueue_dma source(%dma_start3A_887 : memref<64x128xf32, #tpu.memory_space<vmem>>) target(%dma_start3A_884 : memref<64x128xf32, #tpu.memory_space<hbm>>) target_semaphore(%run_scoped3A : memref<!tpu.dma_semaphore, #tpu.memory_space<semaphore_mem>>)
      %dma_wait3A_888 = arith.constant 384 : i32
      %dma_wait3A_889 = arith.constant 0 : i32
      %dma_wait3A_890 = tpu.memref_slice %arg7[%dma_wait3A_888, %dma_wait3A_889] : memref<512x128xf32, #tpu.memory_space<vmem>> -> memref<64x128xf32, #tpu.memory_space<vmem>>
      %dma_wait3A_891 = arith.constant 0 : i32
      %dma_wait3A_892 = tpu.memref_slice %arg4[%add3A_865, %dma_wait3A_891] : memref<16384x128xf32, #tpu.memory_space<hbm>> -> memref<64x128xf32, #tpu.memory_space<hbm>>
      %dma_wait3A_893 = arith.constant 0 : i32
      %dma_wait3A_894 = tpu.memref_slice %arg4[%add3A_865, %dma_wait3A_893] : memref<16384x128xf32, #tpu.memory_space<hbm>> -> memref<64x128xf32, #tpu.memory_space<hbm>>
      %dma_wait3A_895 = arith.constant 384 : i32
      %dma_wait3A_896 = arith.constant 0 : i32
      %dma_wait3A_897 = tpu.memref_slice %arg7[%dma_wait3A_895, %dma_wait3A_896] : memref<512x128xf32, #tpu.memory_space<vmem>> -> memref<64x128xf32, #tpu.memory_space<vmem>>
      tpu.wait_dma2 semaphore(%run_scoped3A : memref<!tpu.dma_semaphore, #tpu.memory_space<semaphore_mem>>) src(%dma_wait3A_897 : memref<64x128xf32, #tpu.memory_space<vmem>>) dst(%dma_wait3A_894 : memref<64x128xf32, #tpu.memory_space<hbm>>)
      tpu.yield
    }) : () -> ()
    %dma_wait3A_866 = arith.constant 7 : i32
    %dma_wait3A_867 = arith.constant 448 : i32
    %dma_wait3A_868 = arith.constant 0 : i32
    %dma_wait3A_869 = tpu.memref_slice %arg7[%dma_wait3A_867, %dma_wait3A_868] : memref<512x128xf32, #tpu.memory_space<vmem>> -> memref<64x128xf32, #tpu.memory_space<vmem>>
    %dma_wait3A_870 = arith.constant 0 : i32
    %dma_wait3A_871 = tpu.memref_slice %arg6[%dma_wait3A_866, %dma_wait3A_870] : memref<8x64xi32, #tpu.memory_space<vmem>> -> memref<1x64xi32, #tpu.memory_space<vmem>>
    %dma_wait3A_872 = tpu.memref_squeeze %dma_wait3A_871 : memref<1x64xi32, #tpu.memory_space<vmem>> -> memref<64xi32, #tpu.memory_space<vmem>>
    %dma_wait3A_873 = arith.constant 0 : i32
    %dma_wait3A_874 = arith.constant 0 : i32
    %dma_wait3A_875 = tpu.memref_slice %arg8[%dma_wait3A_873, %dma_wait3A_874] : memref<1000x128xf32, #tpu.memory_space<vmem_shared>> -> memref<1000x128xf32, #tpu.memory_space<vmem_shared>>
    tpu.wait_indirect_dma semaphore(%arg16 : memref<!tpu.dma_semaphore, #tpu.memory_space<semaphore_mem>>) src(%dma_wait3A_875 : memref<1000x128xf32, #tpu.memory_space<vmem_shared>>) dst(%dma_wait3A_869 : memref<64x128xf32, #tpu.memory_space<vmem>>)
    %add3A_876 = arith.constant 448 : i32
    %add3A_877 = arith.addi %mul3A_2, %add3A_876 : i32
    "tpu.region"() ({
      %run_scoped3A = tpu.sem_alloc : memref<!tpu.dma_semaphore, #tpu.memory_space<semaphore_mem>>
      %dma_start3A_878 = arith.constant 448 : i32
      %dma_start3A_879 = arith.constant 0 : i32
      %dma_start3A_880 = tpu.memref_slice %arg7[%dma_start3A_878, %dma_start3A_879] : memref<512x128xf32, #tpu.memory_space<vmem>> -> memref<64x128xf32, #tpu.memory_space<vmem>>
      %dma_start3A_881 = arith.constant 0 : i32
      %dma_start3A_882 = tpu.memref_slice %arg4[%add3A_877, %dma_start3A_881] : memref<16384x128xf32, #tpu.memory_space<hbm>> -> memref<64x128xf32, #tpu.memory_space<hbm>>
      %dma_start3A_883 = arith.constant 0 : i32
      %dma_start3A_884 = tpu.memref_slice %arg4[%add3A_877, %dma_start3A_883] : memref<16384x128xf32, #tpu.memory_space<hbm>> -> memref<64x128xf32, #tpu.memory_space<hbm>>
      %dma_start3A_885 = arith.constant 448 : i32
      %dma_start3A_886 = arith.constant 0 : i32
      %dma_start3A_887 = tpu.memref_slice %arg7[%dma_start3A_885, %dma_start3A_886] : memref<512x128xf32, #tpu.memory_space<vmem>> -> memref<64x128xf32, #tpu.memory_space<vmem>>
      tpu.enqueue_dma source(%dma_start3A_887 : memref<64x128xf32, #tpu.memory_space<vmem>>) target(%dma_start3A_884 : memref<64x128xf32, #tpu.memory_space<hbm>>) target_semaphore(%run_scoped3A : memref<!tpu.dma_semaphore, #tpu.memory_space<semaphore_mem>>)
      %dma_wait3A_888 = arith.constant 448 : i32
      %dma_wait3A_889 = arith.constant 0 : i32
      %dma_wait3A_890 = tpu.memref_slice %arg7[%dma_wait3A_888, %dma_wait3A_889] : memref<512x128xf32, #tpu.memory_space<vmem>> -> memref<64x128xf32, #tpu.memory_space<vmem>>
      %dma_wait3A_891 = arith.constant 0 : i32
      %dma_wait3A_892 = tpu.memref_slice %arg4[%add3A_877, %dma_wait3A_891] : memref<16384x128xf32, #tpu.memory_space<hbm>> -> memref<64x128xf32, #tpu.memory_space<hbm>>
      %dma_wait3A_893 = arith.constant 0 : i32
      %dma_wait3A_894 = tpu.memref_slice %arg4[%add3A_877, %dma_wait3A_893] : memref<16384x128xf32, #tpu.memory_space<hbm>> -> memref<64x128xf32, #tpu.memory_space<hbm>>
      %dma_wait3A_895 = arith.constant 448 : i32
      %dma_wait3A_896 = arith.constant 0 : i32
      %dma_wait3A_897 = tpu.memref_slice %arg7[%dma_wait3A_895, %dma_wait3A_896] : memref<512x128xf32, #tpu.memory_space<vmem>> -> memref<64x128xf32, #tpu.memory_space<vmem>>
      tpu.wait_dma2 semaphore(%run_scoped3A : memref<!tpu.dma_semaphore, #tpu.memory_space<semaphore_mem>>) src(%dma_wait3A_897 : memref<64x128xf32, #tpu.memory_space<vmem>>) dst(%dma_wait3A_894 : memref<64x128xf32, #tpu.memory_space<hbm>>)
      tpu.yield
    }) : () -> ()
    return
  }
}

</mosaic_0001>

<sc_bundles>
// kernel: kernel.3.cloned.1.call-start
scs
__scs_entry_jumppad:
0x0: {  	(pc) =	sbr.rel $0x88, $3  }
0x1: {  	(tag) =	ssettag $0x0;
	lr =	simm.s32 $0x1  }
0x2: {  	[smem:$0x3F9F] =	sst lr;
	_ =	strace $0xD0000000  }
0x3: {  	_ = 	snop  }
0x4: {  	_ = 	snop  }
0x5: {  	_ = 	snop  }
0x6: {  	_ = 	snop  }
0x7: {  	_ = 	snop  }
__scs_overlays_trampoline_lowered:
0x8: {  	[smem:$0x3FAE] =	sst s0  }
0x9: {  	[smem:$0x3FAF] =	sst s1  }
0xa: {  	[smem:$0x3FB0] =	sst s2  }
0xb: {  	[smem:$0x3FB1] =	sst s3  }
0xc: {  	[smem:$0x3FB2] =	sst s4  }
0xd: {  	[smem:$0x3FB3] =	sst s5  }
0xe: {  	[smem:$0x3FB4] =	sst s6  }
0xf: {  	[smem:$0x3FB5] =	sst s7  }
0x10: {  	[smem:$0x3FB6] =	sst s8  }
0x11: {  	[smem:$0x3FB7] =	sst s9;
	s0 =	simm.s32 @!p0 $0x0  }
0x12: {  	s1 =	sld [smem:$0x3F9D];
	s0 =	simm.s32 @p0 $0x1  }
0x13: {  	[smem:$0x3FB8] =	sst s0;
	s0 =	simm.s32 @!p1 $0x0  }
0x14: {  	s2 =	sld [smem:$0x3F9C];
	s0 =	simm.s32 @p1 $0x1  }
0x15: {  	[smem:$0x3FB9] =	sst s0;
	s0 =	simm.s32 @!p2 $0x0  }
0x16: {  	s3 =	sld [smem:$0x3FDB];
	s0 =	simm.s32 @p2 $0x1  }
0x17: {  	s4 =	simm.s32 $0x1BF5;
	[smem:$0x3FBB] =	sst s0  }
0x18: {  	s0 =	sld [smem:$0x3F9E];
	_ =	swait.ge [sflag:s4], $0x0  }
0x19: {  	s7 =	sld [smem:$0x3F9F]  }
0x1a: {  	s8 =	sadd.s32 $0xFFFFE003, lr  }
0x1b: {  	s9 =	sadd.s32 $0xFFFFFEF7, lr;
	s5 =	simm.s32 $0xFFFFFFFF;
	p2 =	slt.u32 s8, $0xFFFFF086  }
0x1c: {  	p1 =	slt.u32 s9, $0xF7A;
	s5 =	simm.s32 @!p2 $0x0  }
0x1d: {  	s5 =	simm.s32 @p1 $0x1;
	p0 =	seq.s32 s7, s2  }
0x1e: {  	s7 =	smul.u32 @!p0 $0xF7A, s2;
	p2 =	seq.s32 @!p0 s5, $0x0  }
0x1f: {  	s9 =	smul.u32 $0xF7A, s1;
	s8 =	simm.s32 @!p0 $0x1BF5;
	p2 =	por !p2, p0  }
0x20: {  	[sflag:s8] =	ssyncset.s32 @!p0 $0xFFFFF086;
	s6 =	sadd.s32 @!p0 s3, s7;
	s7 =	simm.s32 @!p0 $0x108  }
0x21: {  	s3 =	sadd.s32 s3, s9;
	s6 =	sadd.s32 @!p0 $0x88, s6;
	s7 =	simm.s32 @p2 $0x1082  }
0x22: {  	[simem:s7], [sflag:s8] =	dma.local @!p0 [hbm:s6], $0xF7A  }
0x23: {  	s9 =	sor.u32 $0xD0000000, s2;
	s6 =	simm.s32 $0x108;
	_ =	swait.ge @!p0 [sflag:s8], $0x0  }
0x24: {  	s3 =	sadd.s32 $0x88, s3;
	s6 =	simm.s32 @!p1 $0x1082;
	[sflag:s4] =	ssyncset.s32 $0xFFFFF086  }
0x25: {  	[simem:s6], [sflag:s4] =	dma.local [hbm:s3], $0xF7A  }
0x26: {  	[smem:$0x3F9F] =	sst s1;
	(tag) =	ssettag s2;
	_ =	strace s9  }
0x27: {  	s1 =	sld [smem:$0x3FAF]  }
0x28: {  	s2 =	sld [smem:$0x3FB0]  }
0x29: {  	s4 =	sld [smem:$0x3FB2]  }
0x2a: {  	p0 =	seq.s32 s5, $0x0;
	s5 =	sld [smem:$0x3FB3]  }
0x2b: {  	s6 =	sld [smem:$0x3FB4]  }
0x2c: {  	s7 =	sld [smem:$0x3FB5]  }
0x2d: {  	s3 =	simm.s32 $0x108;
	s8 =	sld [smem:$0x3FB6]  }
0x2e: {  	s3 =	simm.s32 @!p0 $0x1082;
	s9 =	sld [smem:$0x3FB7]  }
0x2f: {  	lr =	sadd.s32 s0, s3;
	s0 =	sld [smem:$0x3FAE]  }
0x30: {  	s3 =	sld [smem:$0x3FB1]  }
0x31: {  	[smem:$0x3FBA] =	sst s10  }
0x32: {  	s10 =	sld [smem:$0x3FB8];
	_ =	sdelay $0x3  }
0x33: {  	p0 =	seq.s32 s10, $0x1;
	s10 =	sld [smem:$0x3FBA];
	_ =	sdelay $0x3  }
0x34: {  	[smem:$0x3FBA] =	sst s10  }
0x35: {  	s10 =	sld [smem:$0x3FB9];
	_ =	sdelay $0x3  }
0x36: {  	p1 =	seq.s32 s10, $0x1;
	s10 =	sld [smem:$0x3FBA];
	_ =	sdelay $0x3  }
0x37: {  	[smem:$0x3FBA] =	sst s10  }
0x38: {  	s10 =	sld [smem:$0x3FBB]  }
0x39: {  	_ = 	snop;
	(pc) =	sbr.ind lr, $3  }
0x3a: {  	_ = 	snop  }
0x3b: {  	_ = 	snop  }
0x3c: {  	p2 =	seq.s32 s10, $0x1;
	s10 =	sld [smem:$0x3FBA]  }
0x3d: {  	_ =	shalt  }
0x3e: {  	_ =	shalt  }
0x3f: {  	_ =	shalt  }
0x40: {  	_ =	shalt  }
0x41: {  	_ =	shalt  }
0x42: {  	_ =	shalt  }
0x43: {  	_ =	shalt  }
0x44: {  	_ =	shalt  }
0x45: {  	_ =	shalt  }
0x46: {  	_ =	shalt  }
0x47: {  	_ =	shalt  }
0x48: {  	_ =	shalt  }
0x49: {  	_ =	shalt  }
0x4a: {  	_ =	shalt  }
0x4b: {  	_ =	shalt  }
0x4c: {  	_ =	shalt  }
0x4d: {  	_ =	shalt  }
0x4e: {  	_ =	shalt  }
0x4f: {  	_ =	shalt  }
0x50: {  	_ =	shalt  }
0x51: {  	_ =	shalt  }
0x52: {  	_ =	shalt  }
0x53: {  	_ =	shalt  }
0x54: {  	_ =	shalt  }
0x55: {  	_ =	shalt  }
0x56: {  	_ =	shalt  }
0x57: {  	_ =	shalt  }
0x58: {  	_ =	shalt  }
0x59: {  	_ =	shalt  }
0x5a: {  	_ =	shalt  }
0x5b: {  	_ =	shalt  }
0x5c: {  	_ =	shalt  }
0x5d: {  	_ =	shalt  }
0x5e: {  	_ =	shalt  }
0x5f: {  	_ =	shalt  }
0x60: {  	_ =	shalt  }
0x61: {  	_ =	shalt  }
0x62: {  	_ =	shalt  }
0x63: {  	_ =	shalt  }
0x64: {  	_ =	shalt  }
0x65: {  	_ =	shalt  }
0x66: {  	_ =	shalt  }
0x67: {  	_ =	shalt  }
0x68: {  	_ =	shalt  }
0x69: {  	_ =	shalt  }
0x6a: {  	_ =	shalt  }
0x6b: {  	_ =	shalt  }
0x6c: {  	_ =	shalt  }
0x6d: {  	_ =	shalt  }
0x6e: {  	_ =	shalt  }
0x6f: {  	_ =	shalt  }
0x70: {  	_ =	shalt  }
0x71: {  	_ =	shalt  }
0x72: {  	_ =	shalt  }
0x73: {  	_ =	shalt  }
0x74: {  	_ =	shalt  }
0x75: {  	_ =	shalt  }
0x76: {  	_ =	shalt  }
0x77: {  	_ =	shalt  }
0x78: {  	_ =	shalt  }
0x79: {  	_ =	shalt  }
0x7a: {  	_ =	shalt  }
0x7b: {  	_ =	shalt  }
0x7c: {  	_ =	shalt  }
0x7d: {  	_ =	shalt  }
0x7e: {  	_ =	shalt  }
0x7f: {  	_ =	shalt  }
0x80: {  	_ =	shalt  }
0x81: {  	_ =	shalt  }
0x82: {  	_ =	shalt  }
0x83: {  	_ =	shalt  }
0x84: {  	_ =	shalt  }
0x85: {  	_ =	shalt  }
0x86: {  	_ =	shalt  }
0x87: {  	_ =	shalt  }
.Lfunc_end0:
.L_simem_size_0:
called_computation_lowered:
.L_overlay_start_0:
0x88: {  	s2 =	sld [smem:$0x3FD9]  }
0x89: {  	s3 =	sld [smem:$0x3FFE];
	_ =	sdelay $0x1  }
0x8a: {  	s1 =	srdreg.scid  }
0x8b: {  	s0 =	sand.u32 $0x1, s1  }
0x8c: {  	s18 =	sshll.u32 s0, $0xA;
	s2 =	sadd.s32 s3, s2  }
0x8d: {  	s2 =	sadd.s32 s2, s18  }
0x8e: {  	[smem:$0x3FC6] =	sst s2  }
0x8f: {  	_ = 	snop  }
0x90: {  	s2 =	sld [smem:$0x3FC9]  }
0x91: {  	s19 =	sld [smem:$0x3FC8]  }
0x92: {  	s4 =	sld [smem:$0x3FD0];
	(tm) =	ssettm $0x1  }
0x93: {  	s5 =	sld [smem:$0x3FFB];
	_ =	sdelay $0x3  }
0x94: {  	_ =	strace s5  }
0x95: {  	s5 =	sld [smem:$0x3FFC];
	_ =	sdelay $0x3  }
0x96: {  	_ =	strace s5  }
0x97: {  	s5 =	sld [smem:$0x3FFD];
	_ =	sdelay $0x3  }
0x98: {  	_ =	strace s5  }
0x99: {  	_ =	strace $0x8FFFFFFF  }
0x9a: {  	s20 =	sld [smem:$0x3FDB];
	_ =	sdelay $0x1  }
0x9b: {  	s6 =	simm.s32 $_scs_section_size  }
0x9c: {  	s7 =	simm.s32 $_size__tile_overlayer_lowered;
	s8 =	simm.s32 $_tile_overlayer_lowered  }
0x9d: {  	s23 =	simm.s32 $0x1BFF;
	s22 =	sshll.u32 s8, $0x1;
	s5 =	sadd.s32 s6, s20  }
0x9e: {  	s9 =	simm.s32 $0x0;
	s21 =	sshll.u32 s7, $0x1;
	s7 =	sadd.s32 s22, s5  }
0x9f: {  	[timem:s9], [sflag:s23] =	dma.local [hbm:s7], s21  }
0xa0: {  	_ =	swait.ge [sflag:s23], s21  }
0xa1: {  	s6 =	ssub.s32 $0x0, s21;
	[sflag:s23] =	ssyncset.done $0x0  }
0xa2: {  	[sflag:s23] =	ssyncadd.s32 s6;
	_ =	sdelay $0x1  }
0xa3: {  	s24 =	simm.s32 $0x1B8B  }
0xa4: {  	_ =	swait.ge [sflag:s24], $0x1  }
0xa5: {  	[sflag:s24] =	ssyncset.done $0x0  }
0xa6: {  	s25 =	simm.s32 $0x1B8E;
	[sflag:s24] =	ssyncadd.s32 $0xFFFFFFFF  }
0xa7: {  	s26 =	simm.s32 $execute0_lowered;
	[smem:$0x3FD2] =	sst s25  }
0xa8: {  	s6 =	sshll.u32 s26, $0x1;
	_ =	strace $0x80000046;
	[dreg:$0x1] =	wrdreg $0xFFFFFFFF  }
0xa9: {  	s28 =	simm.s32 $_size_execute0_lowered;
	s5 =	sadd.s32 s5, s6;
	[dreg:$0x0] =	wrdreg $0x0  }
0xaa: {  	s6 =	sshll.u32 s28, $0x1;
	[dreg:$0x2] =	wrdreg s5  }
0xab: {  	[dreg:$0x3] =	wrdreg s6  }
0xac: {  	[dreg:$0x4] =	wrdreg $0xC0  }
0xad: {  	_ =	task [dreg:s9], $0x5FFFF  }
0xae: {  	[dreg:$0x1] =	wrdreg $0xFFFFFFFF  }
0xaf: {  	[dreg:$0x0] =	wrdreg $0x60  }
0xb0: {  	[dreg:$0x2] =	wrdreg s2  }
0xb1: {  	[dreg:$0x3] =	wrdreg s19  }
0xb2: {  	[dreg:$0x4] =	wrdreg s4  }
0xb3: {  	[dreg:$0x5] =	wrdreg $0x106000  }
0xb4: {  	[dreg:$0x6] =	wrdreg $0x9  }
0xb5: {  	_ =	task.clear_ibuf [dreg:s9], $0x7FFFF;
	_ =	strace $0x90000046  }
0xb6: {  	s29 =	simm.s32 $0x9;
	_ =	strace $0x80000048  }
0xb7: {  	_ =	swait.ge [sflag:s29], $0x1  }
0xb8: {  	[sflag:s29] =	ssyncadd.s32 $0xFFFFFFFF  }
0xb9: {  	_ =	strace $0x90000048  }
0xba: {  	_ =	sfence  }
0xbb: {  	s30 =	sld [smem:$0x0];
	_ =	sdelay $0x2  }
0xbc: {  	s31 =	sshll.u32 s1, $0xD;
	s1 =	sshrl.u32 s1, $0x2  }
0xbd: {  	s3 =	sand.u32 $0x4000, s31;
	s1 =	sadd.s32 s1, s30  }
0xbe: {  	s0 =	sor.u32 s3, s0;
	s1 =	sshll.u32 s1, $0x11  }
0xbf: {  	s0 =	sor.u32 s1, s0  }
0xc0: {  	s0 =	sadd.s32 $0x8F2B, s0  }
0xc1: {  	[sflag:s0] =	ssyncadd.remote.s32 $0x1  }
0xc2: {  	_ =	sfence.sel $0xFFFF  }
0xc3: {  	[dreg:$0x0] =	wrdreg $0xFFFFFFFF;
	(pc) =	sbr.abs _section_cstart, $3  }
0xc4: {  	[dreg:$0x1] =	wrdreg $0xFFFFFFFF  }
0xc5: {  	_ =	task.clear_ibuf [dreg:s9], $0x2FFFF;
	_ =	strace $0x9FFFFFFF  }
0xc6: {  	(tm) =	ssettm $0x7FFFFFFF  }
0xc7: {  	_ =	shalt  }
tec
execute0_lowered:
.L_overlay_start_1:
0x0: {  	(tag) =	ssettag $0x1  }
0x1: {  	s0 =	rddreg [dreg:$0x0]  }
0x2: {  	s4 =	rddreg [dreg:$0x1]  }
0x3: {  	s5 =	rddreg [dreg:$0x2]  }
0x4: {  	s2 =	rddreg [dreg:$0x3];
	s1 =	stileid.u32  }
0x5: {  	s3 =	simm.s32 $0x0;
	s7 =	srdreg.scid;
	s12 =	simm.s32 $0x300  }
0x6: {  	s28 =	simm.s32 $0x4;
	s29 =	simm.s32 $0x5;
	s30 =	simm.s32 $0x6  }
0x7: {  	s31 =	simm.s32 $0x7;
	s6 =	sshll.u32 s1, $0x6;
	[smem:$0x7FF] =	sst s3  }
0x8: {  	s7 =	sand.u32 $0x1, s7;
	s10 =	sshll.u32 s1, $0xA;
	s8 =	smin.u32 s6, $0x3A8  }
0x9: {  	_ =	strace $0x80000047;
	s11 =	sshll.u32 s7, $0x9;
	s14 =	sor.u32 $0x1C09, s6  }
0xa: {  	s18 =	ssub.s32 $0x2, s7;
	s7 =	simm.s32 $0x40;
	s9 =	sshll.u32 s8, $0x4  }
0xb: {  	s13 =	sor.u32 s11, s10;
	[dreg:$0x6] =	wrdreg s14;
	s20 =	sshrl.u32 s18, $0x1  }
0xc: {  	s23 =	sshll.u32 s8, $0x7;
	s11 =	simm.s32 $0x2600;
	s14 =	simm.s32 $0x380  }
0xd: {  	s4 =	sadd.s32 s4, s9;
	s15 =	sshrl.u32 s13, $0x3;
	s9 =	sshll.u32 s13, $0x4  }
0xe: {  	s6 =	sadd.s32 s23, s2;
	s13 =	simm.s32 $0x4600;
	s23 =	simm.s32 $0xE600  }
0xf: {  	[dreg:$0x5] =	wrdreg s4;
	s0 =	sadd.s32 s0, s15;
	s4 =	sadd.s32 s5, s9  }
0x10: {  	v0 =	vimm.f32 $1.000000000e+02;
	s5 =	ssub.s32 s18, s20;
	s26 =	sshrl.u32 s6, $0x3;
	[dreg:$0x7] =	wrdreg s0  }
0x11: {  	(erf) = vrcp.f32 v0;
	s6 =	simm.s32 $0x9;
	s16 =	sadd.s32 $0x400, s4;
	[dreg:$0xf] =	wrdreg s26  }
0x12: {  	s9 =	simm.s32 $0x600;
	s17 =	sadd.s32 $0x800, s4;
	[dreg:$0x8] =	wrdreg s16  }
0x13: {  	s15 =	simm.s32 $0x6600;
	s19 =	sadd.s32 $0xC00, s4;
	[dreg:$0x9] =	wrdreg s17  }
0x14: {  	s18 =	simm.s32 $0x480;
	s21 =	sadd.s32 $0x1000, s4;
	[dreg:$0xa] =	wrdreg s19  }
0x15: {  	s20 =	simm.s32 $0x500;
	s22 =	sadd.s32 $0x1400, s4;
	[dreg:$0xb] =	wrdreg s21  }
0x16: {  	s24 =	sadd.s32 $0x1800, s4;
	s25 =	sadd.s32 $0x1C00, s4;
	[dreg:$0xc] =	wrdreg s22  }
0x17: {  	s5 =	smax.u32 s5, $0x1;
	s26 =	simm.s32 $0x3;
	[dreg:$0xd] =	wrdreg s24  }
0x18: {  	s0 =	simm.s32 $0x8;
	[dreg:$0xe] =	wrdreg s25;
	s16 =	simm.s32 $0x400  }
0x19: {  	s17 =	simm.s32 $0x8600;
	s19 =	simm.s32 $0xA600;
	s21 =	simm.s32 $0xC600  }
0x1a: {  	s22 =	simm.s32 $0x580;
	s24 =	simm.s32 $0x1;
	s25 =	simm.s32 $0x2;
	v0 =	vpop (erf)  }
.LBB2_1:
0x1b: {  	s1 =	rddreg [dreg:$0x5]  }
0x1c: {  	s8 =	rddreg [dreg:$0x6]  }
0x1d: {  	s10 =	rddreg [dreg:$0xf]  }
0x1e: {  	[spmem:s10], [sflag:s8] =	dma.local [hbm:s1], $0x400  }
0x1f: {  	_ =	swait.ge [sflag:s6], $0x400  }
0x20: {  	[sflag:s6] =	ssyncset.done $0x0  }
0x21: {  	s8 =	rddreg [dreg:$0x7];
	[sflag:s6] =	ssyncadd.s32 $0xFFFFFC00  }
0x22: {  	[tilespmem:s3], [sflag:$0x9] =	stream.linear.gather [hbm4b:s8+s3], $0x200, $0x38;
	[tilespmem:$0x12540] =	vst v63  }
0x23: {  	_ =	swait.ge [sflag:s6], $0x200  }
0x24: {  	[sflag:s6] =	ssyncset.done $0x0  }
0x25: {  	[sflag:s6] =	ssyncadd.s32 $0xFFFFFE00  }
0x26: {  	v1 =	vld [tilespmem:$0x0]  }
0x27: {  	v2 =	vld [tilespmem:$0x10]  }
0x28: {  	v3 =	vld [tilespmem:$0x20]  }
0x29: {  	v4 =	vld [tilespmem:$0x30]  }
0x2a: {  	v5 =	vld [tilespmem:$0x40]  }
0x2b: {  	v6 =	vld [tilespmem:$0x50]  }
0x2c: {  	v7 =	vld [tilespmem:$0x60]  }
0x2d: {  	v8 =	vld [tilespmem:$0x70]  }
0x2e: {  	v9 =	vld [tilespmem:$0x80]  }
0x2f: {  	v10 =	vld [tilespmem:$0x90]  }
0x30: {  	v11 =	vld [tilespmem:$0xA0]  }
0x31: {  	v12 =	vld [tilespmem:$0xB0]  }
0x32: {  	v13 =	vld [tilespmem:$0xC0]  }
0x33: {  	v14 =	vld [tilespmem:$0xD0]  }
0x34: {  	v15 =	vld [tilespmem:$0xE0]  }
0x35: {  	v16 =	vld [tilespmem:$0xF0]  }
0x36: {  	v17 =	vld [tilespmem:$0x100]  }
0x37: {  	v18 =	vld [tilespmem:$0x110]  }
0x38: {  	v19 =	vld [tilespmem:$0x120]  }
0x39: {  	v20 =	vld [tilespmem:$0x130];
	v1 =	vmul.f32 v1, v0;
	v2 =	vmul.f32 v2, v0  }
0x3a: {  	v21 =	vld [tilespmem:$0x140];
	v3 =	vmul.f32 v3, v0;
	v4 =	vmul.f32 v4, v0  }
0x3b: {  	v22 =	vld [tilespmem:$0x150];
	v5 =	vmul.f32 v5, v0;
	v6 =	vmul.f32 v6, v0  }
0x3c: {  	v24 =	vld [tilespmem:$0x170];
	v7 =	vmul.f32 v7, v0;
	v8 =	vmul.f32 v8, v0  }
0x3d: {  	v25 =	vld [tilespmem:$0x180];
	v9 =	vmul.f32 v9, v0;
	v10 =	vmul.f32 v10, v0  }
0x3e: {  	v27 =	vld [tilespmem:$0x190];
	v11 =	vmul.f32 v11, v0;
	v12 =	vmul.f32 v12, v0  }
0x3f: {  	v35 =	vld [tilespmem:$0x1B0];
	v13 =	vmul.f32 v13, v0;
	v14 =	vmul.f32 v14, v0  }
0x40: {  	v45 =	vld [tilespmem:$0x1C0];
	v15 =	vmul.f32 v15, v0;
	v16 =	vmul.f32 v16, v0  }
0x41: {  	v50 =	vld [tilespmem:$0x1E0];
	v17 =	vmul.f32 v17, v0;
	v18 =	vmul.f32 v18, v0  }
0x42: {  	v52 =	vld [tilespmem:$0x1F0];
	v19 =	vmul.f32 v19, v0;
	v20 =	vmul.f32 v20, v0  }
0x43: {  	v21 =	vmul.f32 v21, v0;
	v22 =	vmul.f32 v22, v0  }
0x44: {  	v26 =	vmul.f32 v24, v0;
	v34 =	vmul.f32 v25, v0  }
0x45: {  	v39 =	vmul.f32 v27, v0;
	v41 =	vmul.f32 v35, v0  }
0x46: {  	v51 =	vmul.f32 v45, v0;
	v57 =	vmul.f32 v50, v0  }
0x47: {  	v59 =	vmul.f32 v52, v0;
	v1 =	vmul.f32 $1.000000000e+03, v1  }
0x48: {  	v2 =	vmul.f32 $1.000000000e+03, v2;
	v3 =	vmul.f32 $1.000000000e+03, v3  }
0x49: {  	v4 =	vmul.f32 $1.000000000e+03, v4;
	v5 =	vmul.f32 $1.000000000e+03, v5  }
0x4a: {  	v6 =	vmul.f32 $1.000000000e+03, v6;
	v7 =	vmul.f32 $1.000000000e+03, v7  }
0x4b: {  	v8 =	vmul.f32 $1.000000000e+03, v8;
	v9 =	vmul.f32 $1.000000000e+03, v9  }
0x4c: {  	v10 =	vmul.f32 $1.000000000e+03, v10;
	v11 =	vmul.f32 $1.000000000e+03, v11  }
0x4d: {  	v12 =	vmul.f32 $1.000000000e+03, v12;
	v13 =	vmul.f32 $1.000000000e+03, v13  }
0x4e: {  	v14 =	vmul.f32 $1.000000000e+03, v14;
	v15 =	vmul.f32 $1.000000000e+03, v15  }
0x4f: {  	v16 =	vmul.f32 $1.000000000e+03, v16;
	v17 =	vmul.f32 $1.000000000e+03, v17  }
0x50: {  	v18 =	vmul.f32 $1.000000000e+03, v18;
	v19 =	vmul.f32 $1.000000000e+03, v19  }
0x51: {  	v20 =	vmul.f32 $1.000000000e+03, v20;
	v21 =	vmul.f32 $1.000000000e+03, v21  }
0x52: {  	v22 =	vmul.f32 $1.000000000e+03, v22;
	v30 =	vmul.f32 $1.000000000e+03, v26  }
0x53: {  	v38 =	vmul.f32 $1.000000000e+03, v34;
	v44 =	vmul.f32 $1.000000000e+03, v41  }
0x54: {  	v61 =	vmul.f32 $1.000000000e+03, v59;
	v1 =	vtrunc.f32 v1  }
0x55: {  	v2 =	vtrunc.f32 v2;
	v3 =	vtrunc.f32 v3  }
0x56: {  	v4 =	vtrunc.f32 v4;
	v5 =	vtrunc.f32 v5  }
0x57: {  	v6 =	vtrunc.f32 v6;
	v7 =	vtrunc.f32 v7  }
0x58: {  	v8 =	vtrunc.f32 v8;
	v9 =	vtrunc.f32 v9  }
0x59: {  	v10 =	vtrunc.f32 v10;
	v11 =	vtrunc.f32 v11  }
0x5a: {  	v12 =	vtrunc.f32 v12;
	v13 =	vtrunc.f32 v13  }
0x5b: {  	v14 =	vtrunc.f32 v14;
	v15 =	vtrunc.f32 v15  }
0x5c: {  	v16 =	vtrunc.f32 v16;
	v17 =	vtrunc.f32 v17  }
0x5d: {  	v18 =	vtrunc.f32 v18;
	v19 =	vtrunc.f32 v19  }
0x5e: {  	v20 =	vtrunc.f32 v20;
	v21 =	vtrunc.f32 v21  }
0x5f: {  	v22 =	vtrunc.f32 v22;
	v1 =	vcvt.f32.s32 v1  }
0x60: {  	v2 =	vcvt.f32.s32 v2;
	v3 =	vcvt.f32.s32 v3  }
0x61: {  	v4 =	vcvt.f32.s32 v4;
	v5 =	vcvt.f32.s32 v5  }
0x62: {  	v6 =	vcvt.f32.s32 v6;
	v7 =	vcvt.f32.s32 v7  }
0x63: {  	v8 =	vcvt.f32.s32 v8;
	v9 =	vcvt.f32.s32 v9  }
0x64: {  	v10 =	vcvt.f32.s32 v10;
	v11 =	vcvt.f32.s32 v11  }
0x65: {  	v12 =	vcvt.f32.s32 v12;
	v13 =	vcvt.f32.s32 v13  }
0x66: {  	v14 =	vcvt.f32.s32 v14;
	v15 =	vcvt.f32.s32 v15  }
0x67: {  	v16 =	vcvt.f32.s32 v16;
	v17 =	vcvt.f32.s32 v17  }
0x68: {  	v18 =	vcvt.f32.s32 v18;
	v19 =	vcvt.f32.s32 v19  }
0x69: {  	v20 =	vcvt.f32.s32 v20;
	v21 =	vcvt.f32.s32 v21  }
0x6a: {  	v63 =	vcvt.f32.s32 v22;
	vm0 =	vgt.s32 v1, $0x0;
	vm10 =	vgt.s32 v2, $0x0  }
0x6b: {  	vm11 =	vgt.s32 v3, $0x0;
	vm12 =	vgt.s32 v4, $0x0;
	vm13 =	vgt.s32 v5, $0x0  }
0x6c: {  	vm14 =	vgt.s32 v6, $0x0;
	vm15 =	vgt.s32 v7, $0x0;
	vm4 =	vgt.s32 v8, $0x0  }
0x6d: {  	vm5 =	vgt.s32 v9, $0x0;
	vm6 =	vgt.s32 v10, $0x0;
	vm7 =	vgt.s32 v11, $0x0  }
0x6e: {  	vm8 =	vgt.s32 v12, $0x0;
	vm9 =	vgt.s32 v13, $0x0;
	vm1 =	vgt.s32 v19, $0x0  }
0x6f: {  	v1 =	vnsel vm0, $0x0, v1;
	v2 =	vnsel vm10, $0x0, v2;
	v3 =	vnsel vm11, $0x0, v3  }
0x70: {  	v4 =	vnsel vm12, $0x0, v4;
	v5 =	vnsel vm13, $0x0, v5;
	v6 =	vnsel vm14, $0x0, v6  }
0x71: {  	v7 =	vnsel vm15, $0x0, v7;
	v8 =	vnsel vm4, $0x0, v8;
	v9 =	vnsel vm5, $0x0, v9  }
0x72: {  	v10 =	vnsel vm6, $0x0, v10;
	v11 =	vnsel vm7, $0x0, v11;
	v12 =	vnsel vm8, $0x0, v12  }
0x73: {  	v13 =	vnsel vm9, $0x0, v13;
	vm10 =	vgt.s32 v14, $0x0;
	vm11 =	vgt.s32 v15, $0x0  }
0x74: {  	vm12 =	vgt.s32 v16, $0x0;
	vm13 =	vgt.s32 v17, $0x0;
	vm14 =	vgt.s32 v18, $0x0  }
0x75: {  	v19 =	vnsel vm1, $0x0, v19;
	vm15 =	vgt.s32 v20, $0x0;
	v1 =	vmin.u32 v1, $0x3E7  }
0x76: {  	vm4 =	vgt.s32 v21, $0x0;
	vm5 =	vgt.s32 v63, $0x0;
	v2 =	vmin.u32 v2, $0x3E7;
	[tilespmem:$0x200] =	vst v1  }
0x77: {  	v3 =	vmin.u32 v3, $0x3E7;
	v4 =	vmin.u32 v4, $0x3E7;
	v5 =	vmin.u32 v5, $0x3E7;
	[tilespmem:$0x210] =	vst v2  }
0x78: {  	v6 =	vmin.u32 v6, $0x3E7;
	v7 =	vmin.u32 v7, $0x3E7;
	v8 =	vmin.u32 v8, $0x3E7;
	[tilespmem:$0x220] =	vst v3  }
0x79: {  	v23 =	vld [tilespmem:$0x160];
	v14 =	vnsel vm10, $0x0, v14;
	v15 =	vnsel vm11, $0x0, v15;
	v16 =	vnsel vm12, $0x0, v16;
	[tilespmem:$0x230] =	vst v4  }
0x7a: {  	v17 =	vnsel vm13, $0x0, v17;
	v18 =	vnsel vm14, $0x0, v18;
	v62 =	vnsel vm15, $0x0, v20;
	[tilespmem:$0x280] =	vst v5  }
0x7b: {  	v28 =	vmin.u32 v11, $0x3E7;
	v29 =	vnsel vm4, $0x0, v21;
	v32 =	vmin.u32 v12, $0x3E7;
	[tilespmem:$0x290] =	vst v6  }
0x7c: {  	v47 =	vld [tilespmem:$0x1D0];
	v33 =	vnsel vm5, $0x0, v63;
	v36 =	vmin.u32 v13, $0x3E7;
	v13 =	vtrunc.f32 v38;
	[tilespmem:$0x2A0] =	vst v7  }
0x7d: {  	v53 =	vmin.u32 v19, $0x3E7;
	v63 =	vtrunc.f32 v61;
	v1 =	vmin.u32 v9, $0x3E7;
	[tilespmem:$0x2B0] =	vst v8  }
0x7e: {  	v31 =	vld [tilespmem:$0x1A0];
	v2 =	vmul.f32 v23, v0;
	v3 =	vmin.u32 v10, $0x3E7;
	v4 =	vtrunc.f32 v30;
	[tilespmem:$0x320] =	vst v28  }
0x7f: {  	v37 =	vmin.u32 v14, $0x3E7;
	v40 =	vmin.u32 v15, $0x3E7;
	v14 =	vmul.f32 $1.000000000e+03, v39;
	[tilespmem:$0x330] =	vst v32  }
0x80: {  	v42 =	vcvt.f32.s32 v13;
	[tilespmem:$0x380] =	vst v36;
	v46 =	vmin.u32 v17, $0x3E7;
	v5 =	vtrunc.f32 v44  }
0x81: {  	[tilespmem:$0x420] =	vst v53;
	v54 =	vmin.u32 v62, $0x3E7;
	v6 =	vmul.f32 $1.000000000e+03, v51;
	v7 =	vmul.f32 v47, v0  }
0x82: {  	v55 =	vmin.u32 v29, $0x3E7;
	v9 =	vmul.f32 $1.000000000e+03, v57;
	v4 =	vcvt.f32.s32 v4;
	[tilespmem:$0x300] =	vst v1  }
0x83: {  	v56 =	vmin.u32 v33, $0x3E7;
	[tilespmem:$0x310] =	vst v3;
	v3 =	vmul.f32 v31, v0;
	v5 =	vcvt.f32.s32 v5  }
0x84: {  	v1 =	vmin.u32 v16, $0x3E7;
	[tilespmem:$0x390] =	vst v37;
	v2 =	vmul.f32 $1.000000000e+03, v2;
	v43 =	vtrunc.f32 v14  }
0x85: {  	vm8 =	vgt.s32 v42, $0x0;
	[tilespmem:$0x3B0] =	vst v1;
	v1 =	vmin.u32 v18, $0x3E7;
	v6 =	vtrunc.f32 v6  }
0x86: {  	[tilespmem:$0x3A0] =	vst v40;
	v7 =	vmul.f32 $1.000000000e+03, v7;
	v62 =	vtrunc.f32 v9;
	vm7 =	vgt.s32 v4, $0x0  }
0x87: {  	[tilespmem:$0x400] =	vst v46;
	v3 =	vmul.f32 $1.000000000e+03, v3;
	v13 =	vcvt.f32.s32 v43;
	v48 =	vnsel vm8, $0x0, v42  }
0x88: {  	[tilespmem:$0x430] =	vst v54;
	vm11 =	vgt.s32 v5, $0x0;
	v6 =	vcvt.f32.s32 v6;
	v2 =	vtrunc.f32 v2  }
0x89: {  	[tilespmem:$0x410] =	vst v1;
	v4 =	vnsel vm7, $0x0, v4;
	v1 =	vnsel vm11, $0x0, v5;
	v2 =	vcvt.f32.s32 v2  }
0x8a: {  	[tilespmem:$0x480] =	vst v55;
	v58 =	vmin.u32 v48, $0x3E7;
	v60 =	vtrunc.f32 v7;
	v3 =	vtrunc.f32 v3  }
0x8b: {  	[tilespmem:$0x490] =	vst v56;
	v5 =	vcvt.f32.s32 v63;
	v3 =	vcvt.f32.s32 v3;
	vm6 =	vgt.s32 v2, $0x0  }
0x8c: {  	vm9 =	vgt.s32 v13, $0x0;
	v4 =	vmin.u32 v4, $0x3E7;
	[tilespmem:$0x500] =	vst v58;
	v2 =	vnsel vm6, $0x0, v2  }
0x8d: {  	v49 =	vnsel vm9, $0x0, v13;
	[tilespmem:$0x4B0] =	vst v4;
	vm10 =	vgt.s32 v3, $0x0;
	v2 =	vmin.u32 v2, $0x3E7  }
0x8e: {  	v4 =	vcvt.f32.s32 v60;
	v3 =	vnsel vm10, $0x0, v3;
	[tilespmem:$0x4A0] =	vst v2;
	v2 =	vmin.u32 v49, $0x3E7  }
0x8f: {  	vm12 =	vgt.s32 v6, $0x0;
	v3 =	vmin.u32 v3, $0x3E7;
	[tilespmem:$0x510] =	vst v2;
	v2 =	vcvt.f32.s32 v62  }
0x90: {  	v1 =	vmin.u32 v1, $0x3E7;
	vm13 =	vgt.s32 v4, $0x0;
	[tilespmem:$0x520] =	vst v3;
	v3 =	vnsel vm12, $0x0, v6  }
0x91: {  	[tilespmem:$0x530] =	vst v1;
	v1 =	vmin.u32 v3, $0x3E7;
	v3 =	vnsel vm13, $0x0, v4;
	vm14 =	vgt.s32 v2, $0x0  }
0x92: {  	vm15 =	vgt.s32 v5, $0x0;
	[tilespmem:$0x580] =	vst v1;
	v1 =	vmin.u32 v3, $0x3E7;
	v2 =	vnsel vm14, $0x0, v2  }
0x93: {  	[tilespmem:$0x590] =	vst v1;
	v1 =	vnsel vm15, $0x0, v5;
	v2 =	vmin.u32 v2, $0x3E7  }
0x94: {  	v1 =	vmin.u32 v1, $0x3E7;
	[tilespmem:$0x5A0] =	vst v2  }
0x95: {  	[tilespmem:$0x5B0] =	vst v1  }
0x96: {  	s10 =	simm.s32 $0x200;
	[bflag:$0x0] =	sbarrier.arrive $0xFFFF  }
0x97: {  	[tilespmem:s9], [sflag:$0x1] =	stream.indirect.gather [spmem:s2], $0x80, s10, s7, $0xb8;
	[tilespmem:$0x12540] =	vst v63  }
0x98: {  	s8 =	simm.s32 $0x280  }
0x99: {  	[tilespmem:s11], [sflag:$0x2] =	stream.indirect.gather [spmem:s2], $0x80, s8, s7, $0xb8;
	[tilespmem:$0x12540] =	vst v63  }
0x9a: {  	_ = 	snop  }
0x9b: {  	[tilespmem:s13], [sflag:$0x3] =	stream.indirect.gather [spmem:s2], $0x80, s12, s7, $0xb8;
	[tilespmem:$0x12540] =	vst v63  }
0x9c: {  	_ = 	snop  }
0x9d: {  	[tilespmem:s15], [sflag:$0x4] =	stream.indirect.gather [spmem:s2], $0x80, s14, s7, $0xb8;
	[tilespmem:$0x12540] =	vst v63  }
0x9e: {  	_ = 	snop  }
0x9f: {  	[tilespmem:s17], [sflag:$0x5] =	stream.indirect.gather [spmem:s2], $0x80, s16, s7, $0xb8;
	[tilespmem:$0x12540] =	vst v63  }
0xa0: {  	_ = 	snop  }
0xa1: {  	[tilespmem:s19], [sflag:$0x6] =	stream.indirect.gather [spmem:s2], $0x80, s18, s7, $0xb8;
	[tilespmem:$0x12540] =	vst v63  }
0xa2: {  	_ = 	snop  }
0xa3: {  	[tilespmem:s21], [sflag:$0x7] =	stream.indirect.gather [spmem:s2], $0x80, s20, s7, $0xb8;
	[tilespmem:$0x12540] =	vst v63  }
0xa4: {  	_ = 	snop  }
0xa5: {  	[tilespmem:s23], [sflag:$0x8] =	stream.indirect.gather [spmem:s2], $0x80, s22, s7, $0xb8;
	[tilespmem:$0x12540] =	vst v63  }
0xa6: {  	_ =	swait.ge [sflag:s24], $0x2000  }
0xa7: {  	[sflag:s24] =	ssyncset.done $0x0  }
0xa8: {  	[sflag:s24] =	ssyncadd.s32 $0xFFFFE000  }
0xa9: {  	[hbm4b:s4+s3] =	stream.linear.scatter [tilespmem:s9], [sflag:$0x9], $0x2000, $0x38;
	[tilespmem:$0x12540] =	vst v63  }
0xaa: {  	_ =	swait.ge [sflag:s6], $0x2000  }
0xab: {  	[sflag:s6] =	ssyncset.done $0x0  }
0xac: {  	[sflag:s6] =	ssyncadd.s32 $0xFFFFE000  }
0xad: {  	_ =	swait.ge [sflag:s25], $0x2000  }
0xae: {  	[sflag:s25] =	ssyncset.done $0x0  }
0xaf: {  	s10 =	rddreg [dreg:$0x8];
	[sflag:s25] =	ssyncadd.s32 $0xFFFFE000  }
0xb0: {  	[hbm4b:s10+s3] =	stream.linear.scatter [tilespmem:s11], [sflag:$0x9], $0x2000, $0x38;
	[tilespmem:$0x12540] =	vst v63  }
0xb1: {  	_ =	swait.ge [sflag:s6], $0x2000  }
0xb2: {  	[sflag:s6] =	ssyncset.done $0x0  }
0xb3: {  	[sflag:s6] =	ssyncadd.s32 $0xFFFFE000  }
0xb4: {  	_ =	swait.ge [sflag:s26], $0x2000  }
0xb5: {  	[sflag:s26] =	ssyncset.done $0x0  }
0xb6: {  	s8 =	rddreg [dreg:$0x9];
	[sflag:s26] =	ssyncadd.s32 $0xFFFFE000  }
0xb7: {  	[hbm4b:s8+s3] =	stream.linear.scatter [tilespmem:s13], [sflag:$0x9], $0x2000, $0x38;
	[tilespmem:$0x12540] =	vst v63  }
0xb8: {  	_ =	swait.ge [sflag:s6], $0x2000  }
0xb9: {  	[sflag:s6] =	ssyncset.done $0x0  }
0xba: {  	[sflag:s6] =	ssyncadd.s32 $0xFFFFE000  }
0xbb: {  	_ =	swait.ge [sflag:s28], $0x2000  }
0xbc: {  	[sflag:s28] =	ssyncset.done $0x0  }
0xbd: {  	s10 =	rddreg [dreg:$0xa];
	[sflag:s28] =	ssyncadd.s32 $0xFFFFE000  }
0xbe: {  	[hbm4b:s10+s3] =	stream.linear.scatter [tilespmem:s15], [sflag:$0x9], $0x2000, $0x38;
	[tilespmem:$0x12540] =	vst v63  }
0xbf: {  	_ =	swait.ge [sflag:s6], $0x2000  }
0xc0: {  	[sflag:s6] =	ssyncset.done $0x0  }
0xc1: {  	[sflag:s6] =	ssyncadd.s32 $0xFFFFE000  }
0xc2: {  	_ =	swait.ge [sflag:s29], $0x2000  }
0xc3: {  	[sflag:s29] =	ssyncset.done $0x0  }
0xc4: {  	s8 =	rddreg [dreg:$0xb];
	[sflag:s29] =	ssyncadd.s32 $0xFFFFE000  }
0xc5: {  	[hbm4b:s8+s3] =	stream.linear.scatter [tilespmem:s17], [sflag:$0x9], $0x2000, $0x38;
	[tilespmem:$0x12540] =	vst v63  }
0xc6: {  	_ =	swait.ge [sflag:s6], $0x2000  }
0xc7: {  	[sflag:s6] =	ssyncset.done $0x0  }
0xc8: {  	[sflag:s6] =	ssyncadd.s32 $0xFFFFE000  }
0xc9: {  	_ =	swait.ge [sflag:s30], $0x2000  }
0xca: {  	[sflag:s30] =	ssyncset.done $0x0  }
0xcb: {  	s10 =	rddreg [dreg:$0xc];
	[sflag:s30] =	ssyncadd.s32 $0xFFFFE000  }
0xcc: {  	[hbm4b:s10+s3] =	stream.linear.scatter [tilespmem:s19], [sflag:$0x9], $0x2000, $0x38;
	[tilespmem:$0x12540] =	vst v63  }
0xcd: {  	_ =	swait.ge [sflag:s6], $0x2000  }
0xce: {  	[sflag:s6] =	ssyncset.done $0x0  }
0xcf: {  	[sflag:s6] =	ssyncadd.s32 $0xFFFFE000  }
0xd0: {  	_ =	swait.ge [sflag:s31], $0x2000  }
0xd1: {  	[sflag:s31] =	ssyncset.done $0x0  }
0xd2: {  	s8 =	rddreg [dreg:$0xd];
	[sflag:s31] =	ssyncadd.s32 $0xFFFFE000  }
0xd3: {  	[hbm4b:s8+s3] =	stream.linear.scatter [tilespmem:s21], [sflag:$0x9], $0x2000, $0x38;
	[tilespmem:$0x12540] =	vst v63  }
0xd4: {  	_ =	swait.ge [sflag:s6], $0x2000  }
0xd5: {  	[sflag:s6] =	ssyncset.done $0x0  }
0xd6: {  	[sflag:s6] =	ssyncadd.s32 $0xFFFFE000  }
0xd7: {  	_ =	swait.ge [sflag:s0], $0x2000  }
0xd8: {  	p0 =	sne.s32 s5, $0x1;
	[sflag:s0] =	ssyncset.done $0x0  }
.Ltmp0:
0xd9: {  	s10 =	rddreg [dreg:$0xe];
	[sflag:s0] =	ssyncadd.s32 $0xFFFFE000;
	(pc) =	sbr.rel @p0 .LBB2_1-.Ltmp0, $4  }
0xda: {  	[hbm4b:s10+s3] =	stream.linear.scatter [tilespmem:s23], [sflag:$0x9], $0x2000, $0x38;
	[tilespmem:$0x12540] =	vst v63  }
0xdb: {  	_ =	swait.ge [sflag:s6], $0x2000  }
0xdc: {  	[sflag:s6] =	ssyncset.done $0x0  }
0xdd: {  	s5 =	sadd.s32 $0xFFFFFFFF, s5;
	[sflag:s6] =	ssyncadd.s32 $0xFFFFE000  }
0xde: {  	_ =	sfence.sel $0x180000  }
0xdf: {  	[bflag:$0x0] =	sbarrier.arrive $0xFFFF  }
0xe0: {  	_ =	strace $0x90000047  }
0xe1: {  	s0 =	stileid.u32;
	[bflag:$0x2] =	sbarrier.arrive $0xFFFF  }
0xe2: {  	p0 =	sne.s32 s0, $0x0;
	s0 =	rddreg [dreg:$0x4]  }
0xe3: {  	s0 =	sadd.s32 @!p0 $0x100000, s0  }
0xe4: {  	[sflag:s0] =	ssyncadd.tile.s32 @!p0 $0x1;
	_ =	shalt  }
.Lfunc_end2:
_tile_overlayer_lowered:
.L_overlay_start_2:
0xe5: {  	(tag) =	ssettag $0x2  }
0xe6: {  	s0 =	rddreg [dreg:$0x0];
	s2 =	stileid.u32  }
0xe7: {  	s1 =	rddreg [dreg:$0x1];
	p0 =	sne.s32 s2, $0x0  }
0xe8: {  	s3 =	rddreg [dreg:$0x2];
	[bflag:$0x3] =	sbarrier.arrive $0xFFFF;
	s2 =	simm.s32 @!p0 $0x1C09  }
0xe9: {  	[timem:s3], [sflag:s2] =	dma.local @!p0 [hbm:s0], s1  }
0xea: {  	s0 =	simm.s32 @!p0 $0x9  }
0xeb: {  	_ =	swait.ge @!p0 [sflag:s0], s1  }
0xec: {  	s1 =	ssub.s32 @!p0 $0x0, s1;
	[sflag:s0] =	ssyncset.done @!p0 $0x0  }
0xed: {  	[sflag:s0] =	ssyncadd.s32 @!p0 s1  }
0xee: {  	[bflag:$0x3] =	sbarrier.arrive $0xFFFF  }
0xef: {  	_ =	shalt  }

</sc_bundles>
